<compile_context>
chip_gen: v7x
topology: tpu7x:2x2x1
jax: 0.10.2.dev20260603
libtpu: 0.0.44.dev20260713+nightly
codegen_flags: <defaults>
</compile_context>

<pallas_src>
import functools

import jax
import jax.numpy as jnp
from jax import lax
from jax.experimental import pallas as pl
from jax.experimental.pallas import tpu as pltpu
from jax.experimental.pallas import tpu_sc as plsc

B, N, D = 1024, 200, 128
BN = B * N
HALF = BN // 2

_info = plsc.get_sparse_core_info()
NC, NS = _info.num_cores, _info.num_subcores
NW = NC * NS

CHUNK = 128
ROWS_W = BN // NW
ROWS_H = ROWS_W // 2
NCHUNK_H = ROWS_H // CHUNK
NBUF = 5
NOUTER_H = NCHUNK_H // NBUF
SB = B // NW

_mesh = plsc.VectorSubcoreMesh(core_axis_name="c", subcore_axis_name="s")


@functools.partial(
    pl.kernel,
    mesh=_mesh,
    out_type=(
        jax.ShapeDtypeStruct((HALF, D), jnp.float32),
        jax.ShapeDtypeStruct((HALF, D), jnp.float32),
        jax.ShapeDtypeStruct((B, D), jnp.float32),
        jax.ShapeDtypeStruct((B, D), jnp.float32),
    ),
    scratch_types=[
        pltpu.VMEM((ROWS_W,), jnp.int32),
        pltpu.VMEM((NBUF, CHUNK, D), jnp.float32),
        pltpu.VMEM((SB,), jnp.int32),
        pltpu.VMEM((SB,), jnp.int32),
        pltpu.VMEM((SB, D), jnp.float32),
        pltpu.VMEM((SB, D), jnp.float32),
        pltpu.SemaphoreType.DMA((NBUF,)),
        pltpu.SemaphoreType.DMA((NBUF,)),
        pltpu.SemaphoreType.DMA,
        pltpu.VMEM_SHARED((N, D), jnp.float32),
    ],
)
def _sc_gather(p_hbm, s_hbm, k_hbm, emb_idx_hbm, emb_k_hbm,
               mem_a, mem_b, qs_out, qk_out,
               idx_v, bufs, sidx_v, kidx_v, srows_v, krows_v,
               gsem, ssem, qsem, table_sh):
    wid = lax.axis_index("s") * NC + lax.axis_index("c")
    base = wid * ROWS_H

    @pl.when(lax.axis_index("s") == 0)
    def _stage_table():
        pltpu.sync_copy(emb_idx_hbm, table_sh)

    pltpu.sync_copy(p_hbm.at[pl.ds(base, ROWS_H)], idx_v.at[pl.ds(0, ROWS_H)])
    pltpu.sync_copy(p_hbm.at[pl.ds(HALF + base, ROWS_H)],
                    idx_v.at[pl.ds(ROWS_H, ROWS_H)])
    plsc.subcore_barrier()

    pltpu.sync_copy(s_hbm.at[pl.ds(wid * SB, SB)], sidx_v)
    pltpu.sync_copy(k_hbm.at[pl.ds(wid * SB, SB)], kidx_v)
    qs_gather = pltpu.async_copy(emb_idx_hbm.at[sidx_v], srows_v, qsem)
    qk_gather = pltpu.async_copy(emb_k_hbm.at[kidx_v], krows_v, qsem)

    def run_half(mem_out, idx_off):
        def outer(g, carry):
            c0 = g * NBUF
            gathers = []
            for b in range(NBUF):
                @pl.when(g > 0)
                def _drain(b=b):
                    pltpu.make_async_copy(
                        bufs.at[b], mem_out.at[pl.ds(base, CHUNK)], ssem.at[b]
                    ).wait()

                gathers.append(pltpu.async_copy(
                    table_sh.at[idx_v.at[pl.ds(idx_off + (c0 + b) * CHUNK,
                                               CHUNK)]],
                    bufs.at[b], gsem.at[b]))
            for b in range(NBUF):
                gathers[b].wait()
                pltpu.async_copy(
                    bufs.at[b],
                    mem_out.at[pl.ds(base + (c0 + b) * CHUNK, CHUNK)],
                    ssem.at[b])
            return carry

        lax.fori_loop(0, NOUTER_H, outer, 0)
        for b in range(NBUF):
            pltpu.make_async_copy(
                bufs.at[b], mem_out.at[pl.ds(base, CHUNK)], ssem.at[b]).wait()

    run_half(mem_a, 0)
    run_half(mem_b, ROWS_H)

    qs_gather.wait()
    qk_gather.wait()
    pltpu.sync_copy(srows_v, qs_out.at[pl.ds(wid * SB, SB)])
    pltpu.sync_copy(krows_v, qk_out.at[pl.ds(wid * SB, SB)])


def kernel(p, s, k, emb_idx, emb_k):
    p1d = p.astype(jnp.int32).reshape(BN)
    mem_a, mem_b, q_s, q_k = _sc_gather(
        p1d, s.astype(jnp.int32), k.astype(jnp.int32),
        emb_idx.astype(jnp.float32), emb_k.astype(jnp.float32))
    mem = jnp.concatenate([mem_a, mem_b], axis=0)
    return mem.reshape(B, N, D), q_s, q_k

# --- scband reference (transcript-rebuilt; emitter-appended) ---
"""Pipeline reference for scband-base-pointer-encoder-65025804861790 (READ-ONLY COPY).

The authoritative reference and input builder live on the scoring server;
editing this copy changes nothing except your own understanding.
"""

import jax, jax.numpy as jnp
import numpy as np


def setup_inputs(seed: int = 0) -> dict:
    key = jax.random.key(seed)
    k1, k2, k3, k4, k5 = jax.random.split(key, 5)
    B, N, D = 1024, 200, 128
    p = jax.random.randint(k1, (B, N), 0, N)
    s = jax.random.randint(k2, (B,), 0, N)
    k = jax.random.randint(k3, (B,), 0, 256)
    emb_idx = jax.random.normal(k4, (N, D), dtype=jnp.float32)
    emb_k = jax.random.normal(k5, (256, D), dtype=jnp.float32)
    return {"p": p, "s": s, "k": k, "emb_idx": emb_idx, "emb_k": emb_k}


def reference(p, s, k, emb_idx, emb_k):
    # mem = emb_idx(p): gather rows of the index embedding table -> (B, N, D)
    mem = jnp.take(emb_idx, p, axis=0)
    # q_s = emb_idx(s): (B, D)
    q_s = jnp.take(emb_idx, s, axis=0)
    # q_k = emb_k(k): (B, D)
    q_k = jnp.take(emb_k, k, axis=0)
    return (mem, q_s, q_k)

if __name__ == "__main__":
    import jax
    _d = setup_inputs()
    print(jax.jit(kernel)(*tuple(_d.values())))

</pallas_src>

<mosaic_0001>
#map = affine_map<(d0, d1) -> (0)>
#map1 = affine_map<(d0, d1) -> (0, 0)>
module attributes {stable_mosaic.version = 14 : i64} {
  func.func @_sc_gather(%arg0: i32, %arg1: i32, %arg2: memref<204800xi32, #tpu.memory_space<hbm>>, %arg3: memref<1024xi32, #tpu.memory_space<hbm>>, %arg4: memref<1024xi32, #tpu.memory_space<hbm>>, %arg5: memref<200x128xf32, #tpu.memory_space<hbm>>, %arg6: memref<256x128xf32, #tpu.memory_space<hbm>>, %arg7: memref<102400x128xf32, #tpu.memory_space<hbm>>, %arg8: memref<102400x128xf32, #tpu.memory_space<hbm>>, %arg9: memref<1024x128xf32, #tpu.memory_space<hbm>>, %arg10: memref<1024x128xf32, #tpu.memory_space<hbm>>, %arg11: memref<6400xi32, #tpu.memory_space<vmem>>, %arg12: memref<5x128x128xf32, #tpu.memory_space<vmem>>, %arg13: memref<32xi32, #tpu.memory_space<vmem>>, %arg14: memref<32xi32, #tpu.memory_space<vmem>>, %arg15: memref<32x128xf32, #tpu.memory_space<vmem>>, %arg16: memref<32x128xf32, #tpu.memory_space<vmem>>, %arg17: memref<5x!tpu.dma_semaphore, #tpu.memory_space<semaphore_mem>>, %arg18: memref<5x!tpu.dma_semaphore, #tpu.memory_space<semaphore_mem>>, %arg19: memref<!tpu.dma_semaphore, #tpu.memory_space<semaphore_mem>>, %arg20: memref<200x128xf32, #tpu.memory_space<vmem_shared>>) attributes {dimension_semantics = [#tpu.dimension_semantics<core_parallel>, #tpu.dimension_semantics<subcore_parallel>], iteration_bounds = array<i64: 2, 16>, scalar_prefetch = 0 : i64, scratch_operands = 10 : i64, tpu.core_type = #tpu.core_type<sc_vector_subcore>, window_params = [{transform_indices = #map}, {transform_indices = #map}, {transform_indices = #map}, {transform_indices = #map1}, {transform_indices = #map1}, {transform_indices = #map1}, {transform_indices = #map1}, {transform_indices = #map1}, {transform_indices = #map1}]} {
    %mul3A = arith.constant 2 : i32
    %mul3A_0 = arith.muli %arg1, %mul3A : i32
    %add3A = arith.addi %mul3A_0, %arg0 : i32
    %mul3A_1 = arith.constant 3200 : i32
    %mul3A_2 = arith.muli %add3A, %mul3A_1 : i32
    %eq3A = arith.constant 0 : i32
    %eq3A_3 = arith.cmpi eq, %arg1, %eq3A : i32
    %convert_element_type3A = arith.extui %eq3A_3 : i1 to i32
    %cond3A = arith.constant 0 : i32
    %cond3A_4 = arith.cmpi ne, %convert_element_type3A, %cond3A : i32
    scf.if %cond3A_4 {
      "tpu.region"() ({
        %run_scoped3A = tpu.sem_alloc : memref<!tpu.dma_semaphore, #tpu.memory_space<semaphore_mem>>
        tpu.enqueue_dma source(%arg5 : memref<200x128xf32, #tpu.memory_space<hbm>>) target(%arg20 : memref<200x128xf32, #tpu.memory_space<vmem_shared>>) target_semaphore(%run_scoped3A : memref<!tpu.dma_semaphore, #tpu.memory_space<semaphore_mem>>)
        tpu.wait_dma2 semaphore(%run_scoped3A : memref<!tpu.dma_semaphore, #tpu.memory_space<semaphore_mem>>) src(%arg5 : memref<200x128xf32, #tpu.memory_space<hbm>>) dst(%arg20 : memref<200x128xf32, #tpu.memory_space<vmem_shared>>)
        tpu.yield
      }) : () -> ()
    } else {
    }
    "tpu.region"() ({
      %run_scoped3A = tpu.sem_alloc : memref<!tpu.dma_semaphore, #tpu.memory_space<semaphore_mem>>
      %dma_start3A_196 = arith.constant 0 : i32
      %dma_start3A_197 = tpu.memref_slice %arg11[%dma_start3A_196] : memref<6400xi32, #tpu.memory_space<vmem>> -> memref<3200xi32, #tpu.memory_space<vmem>>
      %dma_start3A_198 = tpu.memref_slice %arg2[%mul3A_2] : memref<204800xi32, #tpu.memory_space<hbm>> -> memref<3200xi32, #tpu.memory_space<hbm>>
      %dma_start3A_199 = arith.constant 0 : i32
      %dma_start3A_200 = tpu.memref_slice %arg11[%dma_start3A_199] : memref<6400xi32, #tpu.memory_space<vmem>> -> memref<3200xi32, #tpu.memory_space<vmem>>
      %dma_start3A_201 = tpu.memref_slice %arg2[%mul3A_2] : memref<204800xi32, #tpu.memory_space<hbm>> -> memref<3200xi32, #tpu.memory_space<hbm>>
      tpu.enqueue_dma source(%dma_start3A_201 : memref<3200xi32, #tpu.memory_space<hbm>>) target(%dma_start3A_200 : memref<3200xi32, #tpu.memory_space<vmem>>) target_semaphore(%run_scoped3A : memref<!tpu.dma_semaphore, #tpu.memory_space<semaphore_mem>>)
      %dma_wait3A_202 = arith.constant 0 : i32
      %dma_wait3A_203 = tpu.memref_slice %arg11[%dma_wait3A_202] : memref<6400xi32, #tpu.memory_space<vmem>> -> memref<3200xi32, #tpu.memory_space<vmem>>
      %dma_wait3A_204 = tpu.memref_slice %arg2[%mul3A_2] : memref<204800xi32, #tpu.memory_space<hbm>> -> memref<3200xi32, #tpu.memory_space<hbm>>
      %dma_wait3A_205 = arith.constant 0 : i32
      %dma_wait3A_206 = tpu.memref_slice %arg11[%dma_wait3A_205] : memref<6400xi32, #tpu.memory_space<vmem>> -> memref<3200xi32, #tpu.memory_space<vmem>>
      %dma_wait3A_207 = tpu.memref_slice %arg2[%mul3A_2] : memref<204800xi32, #tpu.memory_space<hbm>> -> memref<3200xi32, #tpu.memory_space<hbm>>
      tpu.wait_dma2 semaphore(%run_scoped3A : memref<!tpu.dma_semaphore, #tpu.memory_space<semaphore_mem>>) src(%dma_wait3A_207 : memref<3200xi32, #tpu.memory_space<hbm>>) dst(%dma_wait3A_206 : memref<3200xi32, #tpu.memory_space<vmem>>)
      tpu.yield
    }) : () -> ()
    %add3A_5 = arith.constant 102400 : i32
    %add3A_6 = arith.addi %add3A_5, %mul3A_2 : i32
    "tpu.region"() ({
      %run_scoped3A = tpu.sem_alloc : memref<!tpu.dma_semaphore, #tpu.memory_space<semaphore_mem>>
      %dma_start3A_196 = arith.constant 3200 : i32
      %dma_start3A_197 = tpu.memref_slice %arg11[%dma_start3A_196] : memref<6400xi32, #tpu.memory_space<vmem>> -> memref<3200xi32, #tpu.memory_space<vmem>>
      %dma_start3A_198 = tpu.memref_slice %arg2[%add3A_6] : memref<204800xi32, #tpu.memory_space<hbm>> -> memref<3200xi32, #tpu.memory_space<hbm>>
      %dma_start3A_199 = arith.constant 3200 : i32
      %dma_start3A_200 = tpu.memref_slice %arg11[%dma_start3A_199] : memref<6400xi32, #tpu.memory_space<vmem>> -> memref<3200xi32, #tpu.memory_space<vmem>>
      %dma_start3A_201 = tpu.memref_slice %arg2[%add3A_6] : memref<204800xi32, #tpu.memory_space<hbm>> -> memref<3200xi32, #tpu.memory_space<hbm>>
      tpu.enqueue_dma source(%dma_start3A_201 : memref<3200xi32, #tpu.memory_space<hbm>>) target(%dma_start3A_200 : memref<3200xi32, #tpu.memory_space<vmem>>) target_semaphore(%run_scoped3A : memref<!tpu.dma_semaphore, #tpu.memory_space<semaphore_mem>>)
      %dma_wait3A_202 = arith.constant 3200 : i32
      %dma_wait3A_203 = tpu.memref_slice %arg11[%dma_wait3A_202] : memref<6400xi32, #tpu.memory_space<vmem>> -> memref<3200xi32, #tpu.memory_space<vmem>>
      %dma_wait3A_204 = tpu.memref_slice %arg2[%add3A_6] : memref<204800xi32, #tpu.memory_space<hbm>> -> memref<3200xi32, #tpu.memory_space<hbm>>
      %dma_wait3A_205 = arith.constant 3200 : i32
      %dma_wait3A_206 = tpu.memref_slice %arg11[%dma_wait3A_205] : memref<6400xi32, #tpu.memory_space<vmem>> -> memref<3200xi32, #tpu.memory_space<vmem>>
      %dma_wait3A_207 = tpu.memref_slice %arg2[%add3A_6] : memref<204800xi32, #tpu.memory_space<hbm>> -> memref<3200xi32, #tpu.memory_space<hbm>>
      tpu.wait_dma2 semaphore(%run_scoped3A : memref<!tpu.dma_semaphore, #tpu.memory_space<semaphore_mem>>) src(%dma_wait3A_207 : memref<3200xi32, #tpu.memory_space<hbm>>) dst(%dma_wait3A_206 : memref<3200xi32, #tpu.memory_space<vmem>>)
      tpu.yield
    }) : () -> ()
    %barrier3A = arith.constant 0 : index
    tpu.barrier barrier_id(%barrier3A)
    %mul3A_7 = arith.constant 32 : i32
    %mul3A_8 = arith.muli %add3A, %mul3A_7 : i32
    "tpu.region"() ({
      %run_scoped3A = tpu.sem_alloc : memref<!tpu.dma_semaphore, #tpu.memory_space<semaphore_mem>>
      %dma_start3A_196 = tpu.memref_slice %arg3[%mul3A_8] : memref<1024xi32, #tpu.memory_space<hbm>> -> memref<32xi32, #tpu.memory_space<hbm>>
      %dma_start3A_197 = tpu.memref_slice %arg3[%mul3A_8] : memref<1024xi32, #tpu.memory_space<hbm>> -> memref<32xi32, #tpu.memory_space<hbm>>
      tpu.enqueue_dma source(%dma_start3A_197 : memref<32xi32, #tpu.memory_space<hbm>>) target(%arg13 : memref<32xi32, #tpu.memory_space<vmem>>) target_semaphore(%run_scoped3A : memref<!tpu.dma_semaphore, #tpu.memory_space<semaphore_mem>>)
      %dma_wait3A_198 = tpu.memref_slice %arg3[%mul3A_8] : memref<1024xi32, #tpu.memory_space<hbm>> -> memref<32xi32, #tpu.memory_space<hbm>>
      %dma_wait3A_199 = tpu.memref_slice %arg3[%mul3A_8] : memref<1024xi32, #tpu.memory_space<hbm>> -> memref<32xi32, #tpu.memory_space<hbm>>
      tpu.wait_dma2 semaphore(%run_scoped3A : memref<!tpu.dma_semaphore, #tpu.memory_space<semaphore_mem>>) src(%dma_wait3A_199 : memref<32xi32, #tpu.memory_space<hbm>>) dst(%arg13 : memref<32xi32, #tpu.memory_space<vmem>>)
      tpu.yield
    }) : () -> ()
    %mul3A_9 = arith.constant 32 : i32
    %mul3A_10 = arith.muli %add3A, %mul3A_9 : i32
    "tpu.region"() ({
      %run_scoped3A = tpu.sem_alloc : memref<!tpu.dma_semaphore, #tpu.memory_space<semaphore_mem>>
      %dma_start3A_196 = tpu.memref_slice %arg4[%mul3A_10] : memref<1024xi32, #tpu.memory_space<hbm>> -> memref<32xi32, #tpu.memory_space<hbm>>
      %dma_start3A_197 = tpu.memref_slice %arg4[%mul3A_10] : memref<1024xi32, #tpu.memory_space<hbm>> -> memref<32xi32, #tpu.memory_space<hbm>>
      tpu.enqueue_dma source(%dma_start3A_197 : memref<32xi32, #tpu.memory_space<hbm>>) target(%arg14 : memref<32xi32, #tpu.memory_space<vmem>>) target_semaphore(%run_scoped3A : memref<!tpu.dma_semaphore, #tpu.memory_space<semaphore_mem>>)
      %dma_wait3A_198 = tpu.memref_slice %arg4[%mul3A_10] : memref<1024xi32, #tpu.memory_space<hbm>> -> memref<32xi32, #tpu.memory_space<hbm>>
      %dma_wait3A_199 = tpu.memref_slice %arg4[%mul3A_10] : memref<1024xi32, #tpu.memory_space<hbm>> -> memref<32xi32, #tpu.memory_space<hbm>>
      tpu.wait_dma2 semaphore(%run_scoped3A : memref<!tpu.dma_semaphore, #tpu.memory_space<semaphore_mem>>) src(%dma_wait3A_199 : memref<32xi32, #tpu.memory_space<hbm>>) dst(%arg14 : memref<32xi32, #tpu.memory_space<vmem>>)
      tpu.yield
    }) : () -> ()
    %dma_start3A = arith.constant 0 : i32
    %dma_start3A_11 = arith.constant 0 : i32
    %dma_start3A_12 = tpu.memref_slice %arg5[%dma_start3A, %dma_start3A_11] : memref<200x128xf32, #tpu.memory_space<hbm>> -> memref<200x128xf32, #tpu.memory_space<hbm>>
    tpu.enqueue_indirect_dma source(%dma_start3A_12 : memref<200x128xf32, #tpu.memory_space<hbm>>) target(%arg15 : memref<32x128xf32, #tpu.memory_space<vmem>>) offsets(%arg13 : memref<32xi32, #tpu.memory_space<vmem>>) semaphore(%arg19 : memref<!tpu.dma_semaphore, #tpu.memory_space<semaphore_mem>>)
    %dma_start3A_13 = arith.constant 0 : i32
    %dma_start3A_14 = arith.constant 0 : i32
    %dma_start3A_15 = tpu.memref_slice %arg6[%dma_start3A_13, %dma_start3A_14] : memref<256x128xf32, #tpu.memory_space<hbm>> -> memref<256x128xf32, #tpu.memory_space<hbm>>
    tpu.enqueue_indirect_dma source(%dma_start3A_15 : memref<256x128xf32, #tpu.memory_space<hbm>>) target(%arg16 : memref<32x128xf32, #tpu.memory_space<vmem>>) offsets(%arg14 : memref<32xi32, #tpu.memory_space<vmem>>) semaphore(%arg19 : memref<!tpu.dma_semaphore, #tpu.memory_space<semaphore_mem>>)
    %scan3A = arith.constant 0 : i32
    %scan3A_16 = arith.constant 0 : i32
    %scan3A_17 = arith.constant 5 : i32
    %scan3A_18 = arith.addi %scan3A_16, %scan3A_17 : i32
    %scan3A_19 = arith.constant 1 : i32
    scf.for %scan3A_196 = %scan3A_16 to %scan3A_18 step %scan3A_19  : i32 {
      %mul3A_197 = arith.constant 5 : i32
      %mul3A_198 = arith.muli %scan3A_196, %mul3A_197 : i32
      %gt3A = arith.constant 0 : i32
      %gt3A_199 = arith.cmpi sgt, %scan3A_196, %gt3A : i32
      %convert_element_type3A_200 = arith.extui %gt3A_199 : i1 to i32
      %cond3A_201 = arith.constant 0 : i32
      %cond3A_202 = arith.cmpi ne, %convert_element_type3A_200, %cond3A_201 : i32
      scf.if %cond3A_202 {
        %dma_wait3A_478 = arith.constant 0 : i32
        %dma_wait3A_479 = arith.constant 0 : i32
        %dma_wait3A_480 = arith.constant 0 : i32
        %dma_wait3A_481 = arith.constant 0 : i32
        %dma_wait3A_482 = tpu.memref_slice %arg12[%dma_wait3A_478, %dma_wait3A_480, %dma_wait3A_481] : memref<5x128x128xf32, #tpu.memory_space<vmem>> -> memref<1x128x128xf32, #tpu.memory_space<vmem>>
        %dma_wait3A_483 = tpu.memref_squeeze %dma_wait3A_482 : memref<1x128x128xf32, #tpu.memory_space<vmem>> -> memref<128x128xf32, #tpu.memory_space<vmem>>
        %dma_wait3A_484 = arith.constant 0 : i32
        %dma_wait3A_485 = tpu.memref_slice %arg7[%mul3A_2, %dma_wait3A_484] : memref<102400x128xf32, #tpu.memory_space<hbm>> -> memref<128x128xf32, #tpu.memory_space<hbm>>
        %dma_wait3A_486 = tpu.memref_slice %arg18[%dma_wait3A_479] : memref<5x!tpu.dma_semaphore, #tpu.memory_space<semaphore_mem>> -> memref<1x!tpu.dma_semaphore, #tpu.memory_space<semaphore_mem>>
        %dma_wait3A_487 = tpu.memref_squeeze %dma_wait3A_486 : memref<1x!tpu.dma_semaphore, #tpu.memory_space<semaphore_mem>> -> memref<!tpu.dma_semaphore, #tpu.memory_space<semaphore_mem>>
        %dma_wait3A_488 = arith.constant 0 : i32
        %dma_wait3A_489 = tpu.memref_slice %arg7[%mul3A_2, %dma_wait3A_488] : memref<102400x128xf32, #tpu.memory_space<hbm>> -> memref<128x128xf32, #tpu.memory_space<hbm>>
        %dma_wait3A_490 = arith.constant 0 : i32
        %dma_wait3A_491 = arith.constant 0 : i32
        %dma_wait3A_492 = tpu.memref_slice %arg12[%dma_wait3A_478, %dma_wait3A_490, %dma_wait3A_491] : memref<5x128x128xf32, #tpu.memory_space<vmem>> -> memref<1x128x128xf32, #tpu.memory_space<vmem>>
        %dma_wait3A_493 = tpu.memref_squeeze %dma_wait3A_492 : memref<1x128x128xf32, #tpu.memory_space<vmem>> -> memref<128x128xf32, #tpu.memory_space<vmem>>
        tpu.wait_dma2 semaphore(%dma_wait3A_487 : memref<!tpu.dma_semaphore, #tpu.memory_space<semaphore_mem>>) src(%dma_wait3A_493 : memref<128x128xf32, #tpu.memory_space<vmem>>) dst(%dma_wait3A_489 : memref<128x128xf32, #tpu.memory_space<hbm>>)
      } else {
      }
      %add3A_203 = arith.constant 0 : i32
      %add3A_204 = arith.addi %mul3A_198, %add3A_203 : i32
      %mul3A_205 = arith.constant 128 : i32
      %mul3A_206 = arith.muli %add3A_204, %mul3A_205 : i32
      %add3A_207 = arith.constant 0 : i32
      %add3A_208 = arith.addi %add3A_207, %mul3A_206 : i32
      %dma_start3A_209 = arith.constant 0 : i32
      %dma_start3A_210 = arith.constant 0 : i32
      %dma_start3A_211 = arith.constant 0 : i32
      %dma_start3A_212 = arith.constant 0 : i32
      %dma_start3A_213 = tpu.memref_slice %arg12[%dma_start3A_209, %dma_start3A_211, %dma_start3A_212] : memref<5x128x128xf32, #tpu.memory_space<vmem>> -> memref<1x128x128xf32, #tpu.memory_space<vmem>>
      %dma_start3A_214 = tpu.memref_squeeze %dma_start3A_213 : memref<1x128x128xf32, #tpu.memory_space<vmem>> -> memref<128x128xf32, #tpu.memory_space<vmem>>
      %dma_start3A_215 = tpu.memref_slice %arg11[%add3A_208] : memref<6400xi32, #tpu.memory_space<vmem>> -> memref<128xi32, #tpu.memory_space<vmem>>
      %dma_start3A_216 = arith.constant 0 : i32
      %dma_start3A_217 = arith.constant 0 : i32
      %dma_start3A_218 = tpu.memref_slice %arg20[%dma_start3A_216, %dma_start3A_217] : memref<200x128xf32, #tpu.memory_space<vmem_shared>> -> memref<200x128xf32, #tpu.memory_space<vmem_shared>>
      %dma_start3A_219 = tpu.memref_slice %arg17[%dma_start3A_210] : memref<5x!tpu.dma_semaphore, #tpu.memory_space<semaphore_mem>> -> memref<1x!tpu.dma_semaphore, #tpu.memory_space<semaphore_mem>>
      %dma_start3A_220 = tpu.memref_squeeze %dma_start3A_219 : memref<1x!tpu.dma_semaphore, #tpu.memory_space<semaphore_mem>> -> memref<!tpu.dma_semaphore, #tpu.memory_space<semaphore_mem>>
      tpu.enqueue_indirect_dma source(%dma_start3A_218 : memref<200x128xf32, #tpu.memory_space<vmem_shared>>) target(%dma_start3A_214 : memref<128x128xf32, #tpu.memory_space<vmem>>) offsets(%dma_start3A_215 : memref<128xi32, #tpu.memory_space<vmem>>) semaphore(%dma_start3A_220 : memref<!tpu.dma_semaphore, #tpu.memory_space<semaphore_mem>>)
      %gt3A_221 = arith.constant 0 : i32
      %gt3A_222 = arith.cmpi sgt, %scan3A_196, %gt3A_221 : i32
      %convert_element_type3A_223 = arith.extui %gt3A_222 : i1 to i32
      %cond3A_224 = arith.constant 0 : i32
      %cond3A_225 = arith.cmpi ne, %convert_element_type3A_223, %cond3A_224 : i32
      scf.if %cond3A_225 {
        %dma_wait3A_478 = arith.constant 1 : i32
        %dma_wait3A_479 = arith.constant 1 : i32
        %dma_wait3A_480 = arith.constant 0 : i32
        %dma_wait3A_481 = arith.constant 0 : i32
        %dma_wait3A_482 = tpu.memref_slice %arg12[%dma_wait3A_478, %dma_wait3A_480, %dma_wait3A_481] : memref<5x128x128xf32, #tpu.memory_space<vmem>> -> memref<1x128x128xf32, #tpu.memory_space<vmem>>
        %dma_wait3A_483 = tpu.memref_squeeze %dma_wait3A_482 : memref<1x128x128xf32, #tpu.memory_space<vmem>> -> memref<128x128xf32, #tpu.memory_space<vmem>>
        %dma_wait3A_484 = arith.constant 0 : i32
        %dma_wait3A_485 = tpu.memref_slice %arg7[%mul3A_2, %dma_wait3A_484] : memref<102400x128xf32, #tpu.memory_space<hbm>> -> memref<128x128xf32, #tpu.memory_space<hbm>>
        %dma_wait3A_486 = tpu.memref_slice %arg18[%dma_wait3A_479] : memref<5x!tpu.dma_semaphore, #tpu.memory_space<semaphore_mem>> -> memref<1x!tpu.dma_semaphore, #tpu.memory_space<semaphore_mem>>
        %dma_wait3A_487 = tpu.memref_squeeze %dma_wait3A_486 : memref<1x!tpu.dma_semaphore, #tpu.memory_space<semaphore_mem>> -> memref<!tpu.dma_semaphore, #tpu.memory_space<semaphore_mem>>
        %dma_wait3A_488 = arith.constant 0 : i32
        %dma_wait3A_489 = tpu.memref_slice %arg7[%mul3A_2, %dma_wait3A_488] : memref<102400x128xf32, #tpu.memory_space<hbm>> -> memref<128x128xf32, #tpu.memory_space<hbm>>
        %dma_wait3A_490 = arith.constant 0 : i32
        %dma_wait3A_491 = arith.constant 0 : i32
        %dma_wait3A_492 = tpu.memref_slice %arg12[%dma_wait3A_478, %dma_wait3A_490, %dma_wait3A_491] : memref<5x128x128xf32, #tpu.memory_space<vmem>> -> memref<1x128x128xf32, #tpu.memory_space<vmem>>
        %dma_wait3A_493 = tpu.memref_squeeze %dma_wait3A_492 : memref<1x128x128xf32, #tpu.memory_space<vmem>> -> memref<128x128xf32, #tpu.memory_space<vmem>>
        tpu.wait_dma2 semaphore(%dma_wait3A_487 : memref<!tpu.dma_semaphore, #tpu.memory_space<semaphore_mem>>) src(%dma_wait3A_493 : memref<128x128xf32, #tpu.memory_space<vmem>>) dst(%dma_wait3A_489 : memref<128x128xf32, #tpu.memory_space<hbm>>)
      } else {
      }
      %add3A_226 = arith.constant 1 : i32
      %add3A_227 = arith.addi %mul3A_198, %add3A_226 : i32
      %mul3A_228 = arith.constant 128 : i32
      %mul3A_229 = arith.muli %add3A_227, %mul3A_228 : i32
      %add3A_230 = arith.constant 0 : i32
      %add3A_231 = arith.addi %add3A_230, %mul3A_229 : i32
      %dma_start3A_232 = arith.constant 1 : i32
      %dma_start3A_233 = arith.constant 1 : i32
      %dma_start3A_234 = arith.constant 0 : i32
      %dma_start3A_235 = arith.constant 0 : i32
      %dma_start3A_236 = tpu.memref_slice %arg12[%dma_start3A_232, %dma_start3A_234, %dma_start3A_235] : memref<5x128x128xf32, #tpu.memory_space<vmem>> -> memref<1x128x128xf32, #tpu.memory_space<vmem>>
      %dma_start3A_237 = tpu.memref_squeeze %dma_start3A_236 : memref<1x128x128xf32, #tpu.memory_space<vmem>> -> memref<128x128xf32, #tpu.memory_space<vmem>>
      %dma_start3A_238 = tpu.memref_slice %arg11[%add3A_231] : memref<6400xi32, #tpu.memory_space<vmem>> -> memref<128xi32, #tpu.memory_space<vmem>>
      %dma_start3A_239 = arith.constant 0 : i32
      %dma_start3A_240 = arith.constant 0 : i32
      %dma_start3A_241 = tpu.memref_slice %arg20[%dma_start3A_239, %dma_start3A_240] : memref<200x128xf32, #tpu.memory_space<vmem_shared>> -> memref<200x128xf32, #tpu.memory_space<vmem_shared>>
      %dma_start3A_242 = tpu.memref_slice %arg17[%dma_start3A_233] : memref<5x!tpu.dma_semaphore, #tpu.memory_space<semaphore_mem>> -> memref<1x!tpu.dma_semaphore, #tpu.memory_space<semaphore_mem>>
      %dma_start3A_243 = tpu.memref_squeeze %dma_start3A_242 : memref<1x!tpu.dma_semaphore, #tpu.memory_space<semaphore_mem>> -> memref<!tpu.dma_semaphore, #tpu.memory_space<semaphore_mem>>
      tpu.enqueue_indirect_dma source(%dma_start3A_241 : memref<200x128xf32, #tpu.memory_space<vmem_shared>>) target(%dma_start3A_237 : memref<128x128xf32, #tpu.memory_space<vmem>>) offsets(%dma_start3A_238 : memref<128xi32, #tpu.memory_space<vmem>>) semaphore(%dma_start3A_243 : memref<!tpu.dma_semaphore, #tpu.memory_space<semaphore_mem>>)
      %gt3A_244 = arith.constant 0 : i32
      %gt3A_245 = arith.cmpi sgt, %scan3A_196, %gt3A_244 : i32
      %convert_element_type3A_246 = arith.extui %gt3A_245 : i1 to i32
      %cond3A_247 = arith.constant 0 : i32
      %cond3A_248 = arith.cmpi ne, %convert_element_type3A_246, %cond3A_247 : i32
      scf.if %cond3A_248 {
        %dma_wait3A_478 = arith.constant 2 : i32
        %dma_wait3A_479 = arith.constant 2 : i32
        %dma_wait3A_480 = arith.constant 0 : i32
        %dma_wait3A_481 = arith.constant 0 : i32
        %dma_wait3A_482 = tpu.memref_slice %arg12[%dma_wait3A_478, %dma_wait3A_480, %dma_wait3A_481] : memref<5x128x128xf32, #tpu.memory_space<vmem>> -> memref<1x128x128xf32, #tpu.memory_space<vmem>>
        %dma_wait3A_483 = tpu.memref_squeeze %dma_wait3A_482 : memref<1x128x128xf32, #tpu.memory_space<vmem>> -> memref<128x128xf32, #tpu.memory_space<vmem>>
        %dma_wait3A_484 = arith.constant 0 : i32
        %dma_wait3A_485 = tpu.memref_slice %arg7[%mul3A_2, %dma_wait3A_484] : memref<102400x128xf32, #tpu.memory_space<hbm>> -> memref<128x128xf32, #tpu.memory_space<hbm>>
        %dma_wait3A_486 = tpu.memref_slice %arg18[%dma_wait3A_479] : memref<5x!tpu.dma_semaphore, #tpu.memory_space<semaphore_mem>> -> memref<1x!tpu.dma_semaphore, #tpu.memory_space<semaphore_mem>>
        %dma_wait3A_487 = tpu.memref_squeeze %dma_wait3A_486 : memref<1x!tpu.dma_semaphore, #tpu.memory_space<semaphore_mem>> -> memref<!tpu.dma_semaphore, #tpu.memory_space<semaphore_mem>>
        %dma_wait3A_488 = arith.constant 0 : i32
        %dma_wait3A_489 = tpu.memref_slice %arg7[%mul3A_2, %dma_wait3A_488] : memref<102400x128xf32, #tpu.memory_space<hbm>> -> memref<128x128xf32, #tpu.memory_space<hbm>>
        %dma_wait3A_490 = arith.constant 0 : i32
        %dma_wait3A_491 = arith.constant 0 : i32
        %dma_wait3A_492 = tpu.memref_slice %arg12[%dma_wait3A_478, %dma_wait3A_490, %dma_wait3A_491] : memref<5x128x128xf32, #tpu.memory_space<vmem>> -> memref<1x128x128xf32, #tpu.memory_space<vmem>>
        %dma_wait3A_493 = tpu.memref_squeeze %dma_wait3A_492 : memref<1x128x128xf32, #tpu.memory_space<vmem>> -> memref<128x128xf32, #tpu.memory_space<vmem>>
        tpu.wait_dma2 semaphore(%dma_wait3A_487 : memref<!tpu.dma_semaphore, #tpu.memory_space<semaphore_mem>>) src(%dma_wait3A_493 : memref<128x128xf32, #tpu.memory_space<vmem>>) dst(%dma_wait3A_489 : memref<128x128xf32, #tpu.memory_space<hbm>>)
      } else {
      }
      %add3A_249 = arith.constant 2 : i32
      %add3A_250 = arith.addi %mul3A_198, %add3A_249 : i32
      %mul3A_251 = arith.constant 128 : i32
      %mul3A_252 = arith.muli %add3A_250, %mul3A_251 : i32
      %add3A_253 = arith.constant 0 : i32
      %add3A_254 = arith.addi %add3A_253, %mul3A_252 : i32
      %dma_start3A_255 = arith.constant 2 : i32
      %dma_start3A_256 = arith.constant 2 : i32
      %dma_start3A_257 = arith.constant 0 : i32
      %dma_start3A_258 = arith.constant 0 : i32
      %dma_start3A_259 = tpu.memref_slice %arg12[%dma_start3A_255, %dma_start3A_257, %dma_start3A_258] : memref<5x128x128xf32, #tpu.memory_space<vmem>> -> memref<1x128x128xf32, #tpu.memory_space<vmem>>
      %dma_start3A_260 = tpu.memref_squeeze %dma_start3A_259 : memref<1x128x128xf32, #tpu.memory_space<vmem>> -> memref<128x128xf32, #tpu.memory_space<vmem>>
      %dma_start3A_261 = tpu.memref_slice %arg11[%add3A_254] : memref<6400xi32, #tpu.memory_space<vmem>> -> memref<128xi32, #tpu.memory_space<vmem>>
      %dma_start3A_262 = arith.constant 0 : i32
      %dma_start3A_263 = arith.constant 0 : i32
      %dma_start3A_264 = tpu.memref_slice %arg20[%dma_start3A_262, %dma_start3A_263] : memref<200x128xf32, #tpu.memory_space<vmem_shared>> -> memref<200x128xf32, #tpu.memory_space<vmem_shared>>
      %dma_start3A_265 = tpu.memref_slice %arg17[%dma_start3A_256] : memref<5x!tpu.dma_semaphore, #tpu.memory_space<semaphore_mem>> -> memref<1x!tpu.dma_semaphore, #tpu.memory_space<semaphore_mem>>
      %dma_start3A_266 = tpu.memref_squeeze %dma_start3A_265 : memref<1x!tpu.dma_semaphore, #tpu.memory_space<semaphore_mem>> -> memref<!tpu.dma_semaphore, #tpu.memory_space<semaphore_mem>>
      tpu.enqueue_indirect_dma source(%dma_start3A_264 : memref<200x128xf32, #tpu.memory_space<vmem_shared>>) target(%dma_start3A_260 : memref<128x128xf32, #tpu.memory_space<vmem>>) offsets(%dma_start3A_261 : memref<128xi32, #tpu.memory_space<vmem>>) semaphore(%dma_start3A_266 : memref<!tpu.dma_semaphore, #tpu.memory_space<semaphore_mem>>)
      %gt3A_267 = arith.constant 0 : i32
      %gt3A_268 = arith.cmpi sgt, %scan3A_196, %gt3A_267 : i32
      %convert_element_type3A_269 = arith.extui %gt3A_268 : i1 to i32
      %cond3A_270 = arith.constant 0 : i32
      %cond3A_271 = arith.cmpi ne, %convert_element_type3A_269, %cond3A_270 : i32
      scf.if %cond3A_271 {
        %dma_wait3A_478 = arith.constant 3 : i32
        %dma_wait3A_479 = arith.constant 3 : i32
        %dma_wait3A_480 = arith.constant 0 : i32
        %dma_wait3A_481 = arith.constant 0 : i32
        %dma_wait3A_482 = tpu.memref_slice %arg12[%dma_wait3A_478, %dma_wait3A_480, %dma_wait3A_481] : memref<5x128x128xf32, #tpu.memory_space<vmem>> -> memref<1x128x128xf32, #tpu.memory_space<vmem>>
        %dma_wait3A_483 = tpu.memref_squeeze %dma_wait3A_482 : memref<1x128x128xf32, #tpu.memory_space<vmem>> -> memref<128x128xf32, #tpu.memory_space<vmem>>
        %dma_wait3A_484 = arith.constant 0 : i32
        %dma_wait3A_485 = tpu.memref_slice %arg7[%mul3A_2, %dma_wait3A_484] : memref<102400x128xf32, #tpu.memory_space<hbm>> -> memref<128x128xf32, #tpu.memory_space<hbm>>
        %dma_wait3A_486 = tpu.memref_slice %arg18[%dma_wait3A_479] : memref<5x!tpu.dma_semaphore, #tpu.memory_space<semaphore_mem>> -> memref<1x!tpu.dma_semaphore, #tpu.memory_space<semaphore_mem>>
        %dma_wait3A_487 = tpu.memref_squeeze %dma_wait3A_486 : memref<1x!tpu.dma_semaphore, #tpu.memory_space<semaphore_mem>> -> memref<!tpu.dma_semaphore, #tpu.memory_space<semaphore_mem>>
        %dma_wait3A_488 = arith.constant 0 : i32
        %dma_wait3A_489 = tpu.memref_slice %arg7[%mul3A_2, %dma_wait3A_488] : memref<102400x128xf32, #tpu.memory_space<hbm>> -> memref<128x128xf32, #tpu.memory_space<hbm>>
        %dma_wait3A_490 = arith.constant 0 : i32
        %dma_wait3A_491 = arith.constant 0 : i32
        %dma_wait3A_492 = tpu.memref_slice %arg12[%dma_wait3A_478, %dma_wait3A_490, %dma_wait3A_491] : memref<5x128x128xf32, #tpu.memory_space<vmem>> -> memref<1x128x128xf32, #tpu.memory_space<vmem>>
        %dma_wait3A_493 = tpu.memref_squeeze %dma_wait3A_492 : memref<1x128x128xf32, #tpu.memory_space<vmem>> -> memref<128x128xf32, #tpu.memory_space<vmem>>
        tpu.wait_dma2 semaphore(%dma_wait3A_487 : memref<!tpu.dma_semaphore, #tpu.memory_space<semaphore_mem>>) src(%dma_wait3A_493 : memref<128x128xf32, #tpu.memory_space<vmem>>) dst(%dma_wait3A_489 : memref<128x128xf32, #tpu.memory_space<hbm>>)
      } else {
      }
      %add3A_272 = arith.constant 3 : i32
      %add3A_273 = arith.addi %mul3A_198, %add3A_272 : i32
      %mul3A_274 = arith.constant 128 : i32
      %mul3A_275 = arith.muli %add3A_273, %mul3A_274 : i32
      %add3A_276 = arith.constant 0 : i32
      %add3A_277 = arith.addi %add3A_276, %mul3A_275 : i32
      %dma_start3A_278 = arith.constant 3 : i32
      %dma_start3A_279 = arith.constant 3 : i32
      %dma_start3A_280 = arith.constant 0 : i32
      %dma_start3A_281 = arith.constant 0 : i32
      %dma_start3A_282 = tpu.memref_slice %arg12[%dma_start3A_278, %dma_start3A_280, %dma_start3A_281] : memref<5x128x128xf32, #tpu.memory_space<vmem>> -> memref<1x128x128xf32, #tpu.memory_space<vmem>>
      %dma_start3A_283 = tpu.memref_squeeze %dma_start3A_282 : memref<1x128x128xf32, #tpu.memory_space<vmem>> -> memref<128x128xf32, #tpu.memory_space<vmem>>
      %dma_start3A_284 = tpu.memref_slice %arg11[%add3A_277] : memref<6400xi32, #tpu.memory_space<vmem>> -> memref<128xi32, #tpu.memory_space<vmem>>
      %dma_start3A_285 = arith.constant 0 : i32
      %dma_start3A_286 = arith.constant 0 : i32
      %dma_start3A_287 = tpu.memref_slice %arg20[%dma_start3A_285, %dma_start3A_286] : memref<200x128xf32, #tpu.memory_space<vmem_shared>> -> memref<200x128xf32, #tpu.memory_space<vmem_shared>>
      %dma_start3A_288 = tpu.memref_slice %arg17[%dma_start3A_279] : memref<5x!tpu.dma_semaphore, #tpu.memory_space<semaphore_mem>> -> memref<1x!tpu.dma_semaphore, #tpu.memory_space<semaphore_mem>>
      %dma_start3A_289 = tpu.memref_squeeze %dma_start3A_288 : memref<1x!tpu.dma_semaphore, #tpu.memory_space<semaphore_mem>> -> memref<!tpu.dma_semaphore, #tpu.memory_space<semaphore_mem>>
      tpu.enqueue_indirect_dma source(%dma_start3A_287 : memref<200x128xf32, #tpu.memory_space<vmem_shared>>) target(%dma_start3A_283 : memref<128x128xf32, #tpu.memory_space<vmem>>) offsets(%dma_start3A_284 : memref<128xi32, #tpu.memory_space<vmem>>) semaphore(%dma_start3A_289 : memref<!tpu.dma_semaphore, #tpu.memory_space<semaphore_mem>>)
      %gt3A_290 = arith.constant 0 : i32
      %gt3A_291 = arith.cmpi sgt, %scan3A_196, %gt3A_290 : i32
      %convert_element_type3A_292 = arith.extui %gt3A_291 : i1 to i32
      %cond3A_293 = arith.constant 0 : i32
      %cond3A_294 = arith.cmpi ne, %convert_element_type3A_292, %cond3A_293 : i32
      scf.if %cond3A_294 {
        %dma_wait3A_478 = arith.constant 4 : i32
        %dma_wait3A_479 = arith.constant 4 : i32
        %dma_wait3A_480 = arith.constant 0 : i32
        %dma_wait3A_481 = arith.constant 0 : i32
        %dma_wait3A_482 = tpu.memref_slice %arg12[%dma_wait3A_478, %dma_wait3A_480, %dma_wait3A_481] : memref<5x128x128xf32, #tpu.memory_space<vmem>> -> memref<1x128x128xf32, #tpu.memory_space<vmem>>
        %dma_wait3A_483 = tpu.memref_squeeze %dma_wait3A_482 : memref<1x128x128xf32, #tpu.memory_space<vmem>> -> memref<128x128xf32, #tpu.memory_space<vmem>>
        %dma_wait3A_484 = arith.constant 0 : i32
        %dma_wait3A_485 = tpu.memref_slice %arg7[%mul3A_2, %dma_wait3A_484] : memref<102400x128xf32, #tpu.memory_space<hbm>> -> memref<128x128xf32, #tpu.memory_space<hbm>>
        %dma_wait3A_486 = tpu.memref_slice %arg18[%dma_wait3A_479] : memref<5x!tpu.dma_semaphore, #tpu.memory_space<semaphore_mem>> -> memref<1x!tpu.dma_semaphore, #tpu.memory_space<semaphore_mem>>
        %dma_wait3A_487 = tpu.memref_squeeze %dma_wait3A_486 : memref<1x!tpu.dma_semaphore, #tpu.memory_space<semaphore_mem>> -> memref<!tpu.dma_semaphore, #tpu.memory_space<semaphore_mem>>
        %dma_wait3A_488 = arith.constant 0 : i32
        %dma_wait3A_489 = tpu.memref_slice %arg7[%mul3A_2, %dma_wait3A_488] : memref<102400x128xf32, #tpu.memory_space<hbm>> -> memref<128x128xf32, #tpu.memory_space<hbm>>
        %dma_wait3A_490 = arith.constant 0 : i32
        %dma_wait3A_491 = arith.constant 0 : i32
        %dma_wait3A_492 = tpu.memref_slice %arg12[%dma_wait3A_478, %dma_wait3A_490, %dma_wait3A_491] : memref<5x128x128xf32, #tpu.memory_space<vmem>> -> memref<1x128x128xf32, #tpu.memory_space<vmem>>
        %dma_wait3A_493 = tpu.memref_squeeze %dma_wait3A_492 : memref<1x128x128xf32, #tpu.memory_space<vmem>> -> memref<128x128xf32, #tpu.memory_space<vmem>>
        tpu.wait_dma2 semaphore(%dma_wait3A_487 : memref<!tpu.dma_semaphore, #tpu.memory_space<semaphore_mem>>) src(%dma_wait3A_493 : memref<128x128xf32, #tpu.memory_space<vmem>>) dst(%dma_wait3A_489 : memref<128x128xf32, #tpu.memory_space<hbm>>)
      } else {
      }
      %add3A_295 = arith.constant 4 : i32
      %add3A_296 = arith.addi %mul3A_198, %add3A_295 : i32
      %mul3A_297 = arith.constant 128 : i32
      %mul3A_298 = arith.muli %add3A_296, %mul3A_297 : i32
      %add3A_299 = arith.constant 0 : i32
      %add3A_300 = arith.addi %add3A_299, %mul3A_298 : i32
      %dma_start3A_301 = arith.constant 4 : i32
      %dma_start3A_302 = arith.constant 4 : i32
      %dma_start3A_303 = arith.constant 0 : i32
      %dma_start3A_304 = arith.constant 0 : i32
      %dma_start3A_305 = tpu.memref_slice %arg12[%dma_start3A_301, %dma_start3A_303, %dma_start3A_304] : memref<5x128x128xf32, #tpu.memory_space<vmem>> -> memref<1x128x128xf32, #tpu.memory_space<vmem>>
      %dma_start3A_306 = tpu.memref_squeeze %dma_start3A_305 : memref<1x128x128xf32, #tpu.memory_space<vmem>> -> memref<128x128xf32, #tpu.memory_space<vmem>>
      %dma_start3A_307 = tpu.memref_slice %arg11[%add3A_300] : memref<6400xi32, #tpu.memory_space<vmem>> -> memref<128xi32, #tpu.memory_space<vmem>>
      %dma_start3A_308 = arith.constant 0 : i32
      %dma_start3A_309 = arith.constant 0 : i32
      %dma_start3A_310 = tpu.memref_slice %arg20[%dma_start3A_308, %dma_start3A_309] : memref<200x128xf32, #tpu.memory_space<vmem_shared>> -> memref<200x128xf32, #tpu.memory_space<vmem_shared>>
      %dma_start3A_311 = tpu.memref_slice %arg17[%dma_start3A_302] : memref<5x!tpu.dma_semaphore, #tpu.memory_space<semaphore_mem>> -> memref<1x!tpu.dma_semaphore, #tpu.memory_space<semaphore_mem>>
      %dma_start3A_312 = tpu.memref_squeeze %dma_start3A_311 : memref<1x!tpu.dma_semaphore, #tpu.memory_space<semaphore_mem>> -> memref<!tpu.dma_semaphore, #tpu.memory_space<semaphore_mem>>
      tpu.enqueue_indirect_dma source(%dma_start3A_310 : memref<200x128xf32, #tpu.memory_space<vmem_shared>>) target(%dma_start3A_306 : memref<128x128xf32, #tpu.memory_space<vmem>>) offsets(%dma_start3A_307 : memref<128xi32, #tpu.memory_space<vmem>>) semaphore(%dma_start3A_312 : memref<!tpu.dma_semaphore, #tpu.memory_space<semaphore_mem>>)
      %dma_wait3A_313 = arith.constant 0 : i32
      %dma_wait3A_314 = arith.constant 0 : i32
      %dma_wait3A_315 = arith.constant 0 : i32
      %dma_wait3A_316 = arith.constant 0 : i32
      %dma_wait3A_317 = tpu.memref_slice %arg12[%dma_wait3A_313, %dma_wait3A_315, %dma_wait3A_316] : memref<5x128x128xf32, #tpu.memory_space<vmem>> -> memref<1x128x128xf32, #tpu.memory_space<vmem>>
      %dma_wait3A_318 = tpu.memref_squeeze %dma_wait3A_317 : memref<1x128x128xf32, #tpu.memory_space<vmem>> -> memref<128x128xf32, #tpu.memory_space<vmem>>
      %dma_wait3A_319 = tpu.memref_slice %arg11[%add3A_208] : memref<6400xi32, #tpu.memory_space<vmem>> -> memref<128xi32, #tpu.memory_space<vmem>>
      %dma_wait3A_320 = arith.constant 0 : i32
      %dma_wait3A_321 = arith.constant 0 : i32
      %dma_wait3A_322 = tpu.memref_slice %arg20[%dma_wait3A_320, %dma_wait3A_321] : memref<200x128xf32, #tpu.memory_space<vmem_shared>> -> memref<200x128xf32, #tpu.memory_space<vmem_shared>>
      %dma_wait3A_323 = tpu.memref_slice %arg17[%dma_wait3A_314] : memref<5x!tpu.dma_semaphore, #tpu.memory_space<semaphore_mem>> -> memref<1x!tpu.dma_semaphore, #tpu.memory_space<semaphore_mem>>
      %dma_wait3A_324 = tpu.memref_squeeze %dma_wait3A_323 : memref<1x!tpu.dma_semaphore, #tpu.memory_space<semaphore_mem>> -> memref<!tpu.dma_semaphore, #tpu.memory_space<semaphore_mem>>
      tpu.wait_indirect_dma semaphore(%dma_wait3A_324 : memref<!tpu.dma_semaphore, #tpu.memory_space<semaphore_mem>>) src(%dma_wait3A_322 : memref<200x128xf32, #tpu.memory_space<vmem_shared>>) dst(%dma_wait3A_318 : memref<128x128xf32, #tpu.memory_space<vmem>>)
      %add3A_325 = arith.constant 0 : i32
      %add3A_326 = arith.addi %mul3A_198, %add3A_325 : i32
      %mul3A_327 = arith.constant 128 : i32
      %mul3A_328 = arith.muli %add3A_326, %mul3A_327 : i32
      %add3A_329 = arith.addi %mul3A_2, %mul3A_328 : i32
      %dma_start3A_330 = arith.constant 0 : i32
      %dma_start3A_331 = arith.constant 0 : i32
      %dma_start3A_332 = arith.constant 0 : i32
      %dma_start3A_333 = arith.constant 0 : i32
      %dma_start3A_334 = tpu.memref_slice %arg12[%dma_start3A_330, %dma_start3A_332, %dma_start3A_333] : memref<5x128x128xf32, #tpu.memory_space<vmem>> -> memref<1x128x128xf32, #tpu.memory_space<vmem>>
      %dma_start3A_335 = tpu.memref_squeeze %dma_start3A_334 : memref<1x128x128xf32, #tpu.memory_space<vmem>> -> memref<128x128xf32, #tpu.memory_space<vmem>>
      %dma_start3A_336 = arith.constant 0 : i32
      %dma_start3A_337 = tpu.memref_slice %arg7[%add3A_329, %dma_start3A_336] : memref<102400x128xf32, #tpu.memory_space<hbm>> -> memref<128x128xf32, #tpu.memory_space<hbm>>
      %dma_start3A_338 = tpu.memref_slice %arg18[%dma_start3A_331] : memref<5x!tpu.dma_semaphore, #tpu.memory_space<semaphore_mem>> -> memref<1x!tpu.dma_semaphore, #tpu.memory_space<semaphore_mem>>
      %dma_start3A_339 = tpu.memref_squeeze %dma_start3A_338 : memref<1x!tpu.dma_semaphore, #tpu.memory_space<semaphore_mem>> -> memref<!tpu.dma_semaphore, #tpu.memory_space<semaphore_mem>>
      %dma_start3A_340 = arith.constant 0 : i32
      %dma_start3A_341 = tpu.memref_slice %arg7[%add3A_329, %dma_start3A_340] : memref<102400x128xf32, #tpu.memory_space<hbm>> -> memref<128x128xf32, #tpu.memory_space<hbm>>
      %dma_start3A_342 = arith.constant 0 : i32
      %dma_start3A_343 = arith.constant 0 : i32
      %dma_start3A_344 = tpu.memref_slice %arg12[%dma_start3A_330, %dma_start3A_342, %dma_start3A_343] : memref<5x128x128xf32, #tpu.memory_space<vmem>> -> memref<1x128x128xf32, #tpu.memory_space<vmem>>
      %dma_start3A_345 = tpu.memref_squeeze %dma_start3A_344 : memref<1x128x128xf32, #tpu.memory_space<vmem>> -> memref<128x128xf32, #tpu.memory_space<vmem>>
      tpu.enqueue_dma source(%dma_start3A_345 : memref<128x128xf32, #tpu.memory_space<vmem>>) target(%dma_start3A_341 : memref<128x128xf32, #tpu.memory_space<hbm>>) target_semaphore(%dma_start3A_339 : memref<!tpu.dma_semaphore, #tpu.memory_space<semaphore_mem>>)
      %dma_wait3A_346 = arith.constant 1 : i32
      %dma_wait3A_347 = arith.constant 1 : i32
      %dma_wait3A_348 = arith.constant 0 : i32
      %dma_wait3A_349 = arith.constant 0 : i32
      %dma_wait3A_350 = tpu.memref_slice %arg12[%dma_wait3A_346, %dma_wait3A_348, %dma_wait3A_349] : memref<5x128x128xf32, #tpu.memory_space<vmem>> -> memref<1x128x128xf32, #tpu.memory_space<vmem>>
      %dma_wait3A_351 = tpu.memref_squeeze %dma_wait3A_350 : memref<1x128x128xf32, #tpu.memory_space<vmem>> -> memref<128x128xf32, #tpu.memory_space<vmem>>
      %dma_wait3A_352 = tpu.memref_slice %arg11[%add3A_231] : memref<6400xi32, #tpu.memory_space<vmem>> -> memref<128xi32, #tpu.memory_space<vmem>>
      %dma_wait3A_353 = arith.constant 0 : i32
      %dma_wait3A_354 = arith.constant 0 : i32
      %dma_wait3A_355 = tpu.memref_slice %arg20[%dma_wait3A_353, %dma_wait3A_354] : memref<200x128xf32, #tpu.memory_space<vmem_shared>> -> memref<200x128xf32, #tpu.memory_space<vmem_shared>>
      %dma_wait3A_356 = tpu.memref_slice %arg17[%dma_wait3A_347] : memref<5x!tpu.dma_semaphore, #tpu.memory_space<semaphore_mem>> -> memref<1x!tpu.dma_semaphore, #tpu.memory_space<semaphore_mem>>
      %dma_wait3A_357 = tpu.memref_squeeze %dma_wait3A_356 : memref<1x!tpu.dma_semaphore, #tpu.memory_space<semaphore_mem>> -> memref<!tpu.dma_semaphore, #tpu.memory_space<semaphore_mem>>
      tpu.wait_indirect_dma semaphore(%dma_wait3A_357 : memref<!tpu.dma_semaphore, #tpu.memory_space<semaphore_mem>>) src(%dma_wait3A_355 : memref<200x128xf32, #tpu.memory_space<vmem_shared>>) dst(%dma_wait3A_351 : memref<128x128xf32, #tpu.memory_space<vmem>>)
      %add3A_358 = arith.constant 1 : i32
      %add3A_359 = arith.addi %mul3A_198, %add3A_358 : i32
      %mul3A_360 = arith.constant 128 : i32
      %mul3A_361 = arith.muli %add3A_359, %mul3A_360 : i32
      %add3A_362 = arith.addi %mul3A_2, %mul3A_361 : i32
      %dma_start3A_363 = arith.constant 1 : i32
      %dma_start3A_364 = arith.constant 1 : i32
      %dma_start3A_365 = arith.constant 0 : i32
      %dma_start3A_366 = arith.constant 0 : i32
      %dma_start3A_367 = tpu.memref_slice %arg12[%dma_start3A_363, %dma_start3A_365, %dma_start3A_366] : memref<5x128x128xf32, #tpu.memory_space<vmem>> -> memref<1x128x128xf32, #tpu.memory_space<vmem>>
      %dma_start3A_368 = tpu.memref_squeeze %dma_start3A_367 : memref<1x128x128xf32, #tpu.memory_space<vmem>> -> memref<128x128xf32, #tpu.memory_space<vmem>>
      %dma_start3A_369 = arith.constant 0 : i32
      %dma_start3A_370 = tpu.memref_slice %arg7[%add3A_362, %dma_start3A_369] : memref<102400x128xf32, #tpu.memory_space<hbm>> -> memref<128x128xf32, #tpu.memory_space<hbm>>
      %dma_start3A_371 = tpu.memref_slice %arg18[%dma_start3A_364] : memref<5x!tpu.dma_semaphore, #tpu.memory_space<semaphore_mem>> -> memref<1x!tpu.dma_semaphore, #tpu.memory_space<semaphore_mem>>
      %dma_start3A_372 = tpu.memref_squeeze %dma_start3A_371 : memref<1x!tpu.dma_semaphore, #tpu.memory_space<semaphore_mem>> -> memref<!tpu.dma_semaphore, #tpu.memory_space<semaphore_mem>>
      %dma_start3A_373 = arith.constant 0 : i32
      %dma_start3A_374 = tpu.memref_slice %arg7[%add3A_362, %dma_start3A_373] : memref<102400x128xf32, #tpu.memory_space<hbm>> -> memref<128x128xf32, #tpu.memory_space<hbm>>
      %dma_start3A_375 = arith.constant 0 : i32
      %dma_start3A_376 = arith.constant 0 : i32
      %dma_start3A_377 = tpu.memref_slice %arg12[%dma_start3A_363, %dma_start3A_375, %dma_start3A_376] : memref<5x128x128xf32, #tpu.memory_space<vmem>> -> memref<1x128x128xf32, #tpu.memory_space<vmem>>
      %dma_start3A_378 = tpu.memref_squeeze %dma_start3A_377 : memref<1x128x128xf32, #tpu.memory_space<vmem>> -> memref<128x128xf32, #tpu.memory_space<vmem>>
      tpu.enqueue_dma source(%dma_start3A_378 : memref<128x128xf32, #tpu.memory_space<vmem>>) target(%dma_start3A_374 : memref<128x128xf32, #tpu.memory_space<hbm>>) target_semaphore(%dma_start3A_372 : memref<!tpu.dma_semaphore, #tpu.memory_space<semaphore_mem>>)
      %dma_wait3A_379 = arith.constant 2 : i32
      %dma_wait3A_380 = arith.constant 2 : i32
      %dma_wait3A_381 = arith.constant 0 : i32
      %dma_wait3A_382 = arith.constant 0 : i32
      %dma_wait3A_383 = tpu.memref_slice %arg12[%dma_wait3A_379, %dma_wait3A_381, %dma_wait3A_382] : memref<5x128x128xf32, #tpu.memory_space<vmem>> -> memref<1x128x128xf32, #tpu.memory_space<vmem>>
      %dma_wait3A_384 = tpu.memref_squeeze %dma_wait3A_383 : memref<1x128x128xf32, #tpu.memory_space<vmem>> -> memref<128x128xf32, #tpu.memory_space<vmem>>
      %dma_wait3A_385 = tpu.memref_slice %arg11[%add3A_254] : memref<6400xi32, #tpu.memory_space<vmem>> -> memref<128xi32, #tpu.memory_space<vmem>>
      %dma_wait3A_386 = arith.constant 0 : i32
      %dma_wait3A_387 = arith.constant 0 : i32
      %dma_wait3A_388 = tpu.memref_slice %arg20[%dma_wait3A_386, %dma_wait3A_387] : memref<200x128xf32, #tpu.memory_space<vmem_shared>> -> memref<200x128xf32, #tpu.memory_space<vmem_shared>>
      %dma_wait3A_389 = tpu.memref_slice %arg17[%dma_wait3A_380] : memref<5x!tpu.dma_semaphore, #tpu.memory_space<semaphore_mem>> -> memref<1x!tpu.dma_semaphore, #tpu.memory_space<semaphore_mem>>
      %dma_wait3A_390 = tpu.memref_squeeze %dma_wait3A_389 : memref<1x!tpu.dma_semaphore, #tpu.memory_space<semaphore_mem>> -> memref<!tpu.dma_semaphore, #tpu.memory_space<semaphore_mem>>
      tpu.wait_indirect_dma semaphore(%dma_wait3A_390 : memref<!tpu.dma_semaphore, #tpu.memory_space<semaphore_mem>>) src(%dma_wait3A_388 : memref<200x128xf32, #tpu.memory_space<vmem_shared>>) dst(%dma_wait3A_384 : memref<128x128xf32, #tpu.memory_space<vmem>>)
      %add3A_391 = arith.constant 2 : i32
      %add3A_392 = arith.addi %mul3A_198, %add3A_391 : i32
      %mul3A_393 = arith.constant 128 : i32
      %mul3A_394 = arith.muli %add3A_392, %mul3A_393 : i32
      %add3A_395 = arith.addi %mul3A_2, %mul3A_394 : i32
      %dma_start3A_396 = arith.constant 2 : i32
      %dma_start3A_397 = arith.constant 2 : i32
      %dma_start3A_398 = arith.constant 0 : i32
      %dma_start3A_399 = arith.constant 0 : i32
      %dma_start3A_400 = tpu.memref_slice %arg12[%dma_start3A_396, %dma_start3A_398, %dma_start3A_399] : memref<5x128x128xf32, #tpu.memory_space<vmem>> -> memref<1x128x128xf32, #tpu.memory_space<vmem>>
      %dma_start3A_401 = tpu.memref_squeeze %dma_start3A_400 : memref<1x128x128xf32, #tpu.memory_space<vmem>> -> memref<128x128xf32, #tpu.memory_space<vmem>>
      %dma_start3A_402 = arith.constant 0 : i32
      %dma_start3A_403 = tpu.memref_slice %arg7[%add3A_395, %dma_start3A_402] : memref<102400x128xf32, #tpu.memory_space<hbm>> -> memref<128x128xf32, #tpu.memory_space<hbm>>
      %dma_start3A_404 = tpu.memref_slice %arg18[%dma_start3A_397] : memref<5x!tpu.dma_semaphore, #tpu.memory_space<semaphore_mem>> -> memref<1x!tpu.dma_semaphore, #tpu.memory_space<semaphore_mem>>
      %dma_start3A_405 = tpu.memref_squeeze %dma_start3A_404 : memref<1x!tpu.dma_semaphore, #tpu.memory_space<semaphore_mem>> -> memref<!tpu.dma_semaphore, #tpu.memory_space<semaphore_mem>>
      %dma_start3A_406 = arith.constant 0 : i32
      %dma_start3A_407 = tpu.memref_slice %arg7[%add3A_395, %dma_start3A_406] : memref<102400x128xf32, #tpu.memory_space<hbm>> -> memref<128x128xf32, #tpu.memory_space<hbm>>
      %dma_start3A_408 = arith.constant 0 : i32
      %dma_start3A_409 = arith.constant 0 : i32
      %dma_start3A_410 = tpu.memref_slice %arg12[%dma_start3A_396, %dma_start3A_408, %dma_start3A_409] : memref<5x128x128xf32, #tpu.memory_space<vmem>> -> memref<1x128x128xf32, #tpu.memory_space<vmem>>
      %dma_start3A_411 = tpu.memref_squeeze %dma_start3A_410 : memref<1x128x128xf32, #tpu.memory_space<vmem>> -> memref<128x128xf32, #tpu.memory_space<vmem>>
      tpu.enqueue_dma source(%dma_start3A_411 : memref<128x128xf32, #tpu.memory_space<vmem>>) target(%dma_start3A_407 : memref<128x128xf32, #tpu.memory_space<hbm>>) target_semaphore(%dma_start3A_405 : memref<!tpu.dma_semaphore, #tpu.memory_space<semaphore_mem>>)
      %dma_wait3A_412 = arith.constant 3 : i32
      %dma_wait3A_413 = arith.constant 3 : i32
      %dma_wait3A_414 = arith.constant 0 : i32
      %dma_wait3A_415 = arith.constant 0 : i32
      %dma_wait3A_416 = tpu.memref_slice %arg12[%dma_wait3A_412, %dma_wait3A_414, %dma_wait3A_415] : memref<5x128x128xf32, #tpu.memory_space<vmem>> -> memref<1x128x128xf32, #tpu.memory_space<vmem>>
      %dma_wait3A_417 = tpu.memref_squeeze %dma_wait3A_416 : memref<1x128x128xf32, #tpu.memory_space<vmem>> -> memref<128x128xf32, #tpu.memory_space<vmem>>
      %dma_wait3A_418 = tpu.memref_slice %arg11[%add3A_277] : memref<6400xi32, #tpu.memory_space<vmem>> -> memref<128xi32, #tpu.memory_space<vmem>>
      %dma_wait3A_419 = arith.constant 0 : i32
      %dma_wait3A_420 = arith.constant 0 : i32
      %dma_wait3A_421 = tpu.memref_slice %arg20[%dma_wait3A_419, %dma_wait3A_420] : memref<200x128xf32, #tpu.memory_space<vmem_shared>> -> memref<200x128xf32, #tpu.memory_space<vmem_shared>>
      %dma_wait3A_422 = tpu.memref_slice %arg17[%dma_wait3A_413] : memref<5x!tpu.dma_semaphore, #tpu.memory_space<semaphore_mem>> -> memref<1x!tpu.dma_semaphore, #tpu.memory_space<semaphore_mem>>
      %dma_wait3A_423 = tpu.memref_squeeze %dma_wait3A_422 : memref<1x!tpu.dma_semaphore, #tpu.memory_space<semaphore_mem>> -> memref<!tpu.dma_semaphore, #tpu.memory_space<semaphore_mem>>
      tpu.wait_indirect_dma semaphore(%dma_wait3A_423 : memref<!tpu.dma_semaphore, #tpu.memory_space<semaphore_mem>>) src(%dma_wait3A_421 : memref<200x128xf32, #tpu.memory_space<vmem_shared>>) dst(%dma_wait3A_417 : memref<128x128xf32, #tpu.memory_space<vmem>>)
      %add3A_424 = arith.constant 3 : i32
      %add3A_425 = arith.addi %mul3A_198, %add3A_424 : i32
      %mul3A_426 = arith.constant 128 : i32
      %mul3A_427 = arith.muli %add3A_425, %mul3A_426 : i32
      %add3A_428 = arith.addi %mul3A_2, %mul3A_427 : i32
      %dma_start3A_429 = arith.constant 3 : i32
      %dma_start3A_430 = arith.constant 3 : i32
      %dma_start3A_431 = arith.constant 0 : i32
      %dma_start3A_432 = arith.constant 0 : i32
      %dma_start3A_433 = tpu.memref_slice %arg12[%dma_start3A_429, %dma_start3A_431, %dma_start3A_432] : memref<5x128x128xf32, #tpu.memory_space<vmem>> -> memref<1x128x128xf32, #tpu.memory_space<vmem>>
      %dma_start3A_434 = tpu.memref_squeeze %dma_start3A_433 : memref<1x128x128xf32, #tpu.memory_space<vmem>> -> memref<128x128xf32, #tpu.memory_space<vmem>>
      %dma_start3A_435 = arith.constant 0 : i32
      %dma_start3A_436 = tpu.memref_slice %arg7[%add3A_428, %dma_start3A_435] : memref<102400x128xf32, #tpu.memory_space<hbm>> -> memref<128x128xf32, #tpu.memory_space<hbm>>
      %dma_start3A_437 = tpu.memref_slice %arg18[%dma_start3A_430] : memref<5x!tpu.dma_semaphore, #tpu.memory_space<semaphore_mem>> -> memref<1x!tpu.dma_semaphore, #tpu.memory_space<semaphore_mem>>
      %dma_start3A_438 = tpu.memref_squeeze %dma_start3A_437 : memref<1x!tpu.dma_semaphore, #tpu.memory_space<semaphore_mem>> -> memref<!tpu.dma_semaphore, #tpu.memory_space<semaphore_mem>>
      %dma_start3A_439 = arith.constant 0 : i32
      %dma_start3A_440 = tpu.memref_slice %arg7[%add3A_428, %dma_start3A_439] : memref<102400x128xf32, #tpu.memory_space<hbm>> -> memref<128x128xf32, #tpu.memory_space<hbm>>
      %dma_start3A_441 = arith.constant 0 : i32
      %dma_start3A_442 = arith.constant 0 : i32
      %dma_start3A_443 = tpu.memref_slice %arg12[%dma_start3A_429, %dma_start3A_441, %dma_start3A_442] : memref<5x128x128xf32, #tpu.memory_space<vmem>> -> memref<1x128x128xf32, #tpu.memory_space<vmem>>
      %dma_start3A_444 = tpu.memref_squeeze %dma_start3A_443 : memref<1x128x128xf32, #tpu.memory_space<vmem>> -> memref<128x128xf32, #tpu.memory_space<vmem>>
      tpu.enqueue_dma source(%dma_start3A_444 : memref<128x128xf32, #tpu.memory_space<vmem>>) target(%dma_start3A_440 : memref<128x128xf32, #tpu.memory_space<hbm>>) target_semaphore(%dma_start3A_438 : memref<!tpu.dma_semaphore, #tpu.memory_space<semaphore_mem>>)
      %dma_wait3A_445 = arith.constant 4 : i32
      %dma_wait3A_446 = arith.constant 4 : i32
      %dma_wait3A_447 = arith.constant 0 : i32
      %dma_wait3A_448 = arith.constant 0 : i32
      %dma_wait3A_449 = tpu.memref_slice %arg12[%dma_wait3A_445, %dma_wait3A_447, %dma_wait3A_448] : memref<5x128x128xf32, #tpu.memory_space<vmem>> -> memref<1x128x128xf32, #tpu.memory_space<vmem>>
      %dma_wait3A_450 = tpu.memref_squeeze %dma_wait3A_449 : memref<1x128x128xf32, #tpu.memory_space<vmem>> -> memref<128x128xf32, #tpu.memory_space<vmem>>
      %dma_wait3A_451 = tpu.memref_slice %arg11[%add3A_300] : memref<6400xi32, #tpu.memory_space<vmem>> -> memref<128xi32, #tpu.memory_space<vmem>>
      %dma_wait3A_452 = arith.constant 0 : i32
      %dma_wait3A_453 = arith.constant 0 : i32
      %dma_wait3A_454 = tpu.memref_slice %arg20[%dma_wait3A_452, %dma_wait3A_453] : memref<200x128xf32, #tpu.memory_space<vmem_shared>> -> memref<200x128xf32, #tpu.memory_space<vmem_shared>>
      %dma_wait3A_455 = tpu.memref_slice %arg17[%dma_wait3A_446] : memref<5x!tpu.dma_semaphore, #tpu.memory_space<semaphore_mem>> -> memref<1x!tpu.dma_semaphore, #tpu.memory_space<semaphore_mem>>
      %dma_wait3A_456 = tpu.memref_squeeze %dma_wait3A_455 : memref<1x!tpu.dma_semaphore, #tpu.memory_space<semaphore_mem>> -> memref<!tpu.dma_semaphore, #tpu.memory_space<semaphore_mem>>
      tpu.wait_indirect_dma semaphore(%dma_wait3A_456 : memref<!tpu.dma_semaphore, #tpu.memory_space<semaphore_mem>>) src(%dma_wait3A_454 : memref<200x128xf32, #tpu.memory_space<vmem_shared>>) dst(%dma_wait3A_450 : memref<128x128xf32, #tpu.memory_space<vmem>>)
      %add3A_457 = arith.constant 4 : i32
      %add3A_458 = arith.addi %mul3A_198, %add3A_457 : i32
      %mul3A_459 = arith.constant 128 : i32
      %mul3A_460 = arith.muli %add3A_458, %mul3A_459 : i32
      %add3A_461 = arith.addi %mul3A_2, %mul3A_460 : i32
      %dma_start3A_462 = arith.constant 4 : i32
      %dma_start3A_463 = arith.constant 4 : i32
      %dma_start3A_464 = arith.constant 0 : i32
      %dma_start3A_465 = arith.constant 0 : i32
      %dma_start3A_466 = tpu.memref_slice %arg12[%dma_start3A_462, %dma_start3A_464, %dma_start3A_465] : memref<5x128x128xf32, #tpu.memory_space<vmem>> -> memref<1x128x128xf32, #tpu.memory_space<vmem>>
      %dma_start3A_467 = tpu.memref_squeeze %dma_start3A_466 : memref<1x128x128xf32, #tpu.memory_space<vmem>> -> memref<128x128xf32, #tpu.memory_space<vmem>>
      %dma_start3A_468 = arith.constant 0 : i32
      %dma_start3A_469 = tpu.memref_slice %arg7[%add3A_461, %dma_start3A_468] : memref<102400x128xf32, #tpu.memory_space<hbm>> -> memref<128x128xf32, #tpu.memory_space<hbm>>
      %dma_start3A_470 = tpu.memref_slice %arg18[%dma_start3A_463] : memref<5x!tpu.dma_semaphore, #tpu.memory_space<semaphore_mem>> -> memref<1x!tpu.dma_semaphore, #tpu.memory_space<semaphore_mem>>
      %dma_start3A_471 = tpu.memref_squeeze %dma_start3A_470 : memref<1x!tpu.dma_semaphore, #tpu.memory_space<semaphore_mem>> -> memref<!tpu.dma_semaphore, #tpu.memory_space<semaphore_mem>>
      %dma_start3A_472 = arith.constant 0 : i32
      %dma_start3A_473 = tpu.memref_slice %arg7[%add3A_461, %dma_start3A_472] : memref<102400x128xf32, #tpu.memory_space<hbm>> -> memref<128x128xf32, #tpu.memory_space<hbm>>
      %dma_start3A_474 = arith.constant 0 : i32
      %dma_start3A_475 = arith.constant 0 : i32
      %dma_start3A_476 = tpu.memref_slice %arg12[%dma_start3A_462, %dma_start3A_474, %dma_start3A_475] : memref<5x128x128xf32, #tpu.memory_space<vmem>> -> memref<1x128x128xf32, #tpu.memory_space<vmem>>
      %dma_start3A_477 = tpu.memref_squeeze %dma_start3A_476 : memref<1x128x128xf32, #tpu.memory_space<vmem>> -> memref<128x128xf32, #tpu.memory_space<vmem>>
      tpu.enqueue_dma source(%dma_start3A_477 : memref<128x128xf32, #tpu.memory_space<vmem>>) target(%dma_start3A_473 : memref<128x128xf32, #tpu.memory_space<hbm>>) target_semaphore(%dma_start3A_471 : memref<!tpu.dma_semaphore, #tpu.memory_space<semaphore_mem>>)
    }
    %scan3A_20 = arith.constant 5 : i32
    %dma_wait3A = arith.constant 0 : i32
    %dma_wait3A_21 = arith.constant 0 : i32
    %dma_wait3A_22 = arith.constant 0 : i32
    %dma_wait3A_23 = arith.constant 0 : i32
    %dma_wait3A_24 = tpu.memref_slice %arg12[%dma_wait3A, %dma_wait3A_22, %dma_wait3A_23] : memref<5x128x128xf32, #tpu.memory_space<vmem>> -> memref<1x128x128xf32, #tpu.memory_space<vmem>>
    %dma_wait3A_25 = tpu.memref_squeeze %dma_wait3A_24 : memref<1x128x128xf32, #tpu.memory_space<vmem>> -> memref<128x128xf32, #tpu.memory_space<vmem>>
    %dma_wait3A_26 = arith.constant 0 : i32
    %dma_wait3A_27 = tpu.memref_slice %arg7[%mul3A_2, %dma_wait3A_26] : memref<102400x128xf32, #tpu.memory_space<hbm>> -> memref<128x128xf32, #tpu.memory_space<hbm>>
    %dma_wait3A_28 = tpu.memref_slice %arg18[%dma_wait3A_21] : memref<5x!tpu.dma_semaphore, #tpu.memory_space<semaphore_mem>> -> memref<1x!tpu.dma_semaphore, #tpu.memory_space<semaphore_mem>>
    %dma_wait3A_29 = tpu.memref_squeeze %dma_wait3A_28 : memref<1x!tpu.dma_semaphore, #tpu.memory_space<semaphore_mem>> -> memref<!tpu.dma_semaphore, #tpu.memory_space<semaphore_mem>>
    %dma_wait3A_30 = arith.constant 0 : i32
    %dma_wait3A_31 = tpu.memref_slice %arg7[%mul3A_2, %dma_wait3A_30] : memref<102400x128xf32, #tpu.memory_space<hbm>> -> memref<128x128xf32, #tpu.memory_space<hbm>>
    %dma_wait3A_32 = arith.constant 0 : i32
    %dma_wait3A_33 = arith.constant 0 : i32
    %dma_wait3A_34 = tpu.memref_slice %arg12[%dma_wait3A, %dma_wait3A_32, %dma_wait3A_33] : memref<5x128x128xf32, #tpu.memory_space<vmem>> -> memref<1x128x128xf32, #tpu.memory_space<vmem>>
    %dma_wait3A_35 = tpu.memref_squeeze %dma_wait3A_34 : memref<1x128x128xf32, #tpu.memory_space<vmem>> -> memref<128x128xf32, #tpu.memory_space<vmem>>
    tpu.wait_dma2 semaphore(%dma_wait3A_29 : memref<!tpu.dma_semaphore, #tpu.memory_space<semaphore_mem>>) src(%dma_wait3A_35 : memref<128x128xf32, #tpu.memory_space<vmem>>) dst(%dma_wait3A_31 : memref<128x128xf32, #tpu.memory_space<hbm>>)
    %dma_wait3A_36 = arith.constant 1 : i32
    %dma_wait3A_37 = arith.constant 1 : i32
    %dma_wait3A_38 = arith.constant 0 : i32
    %dma_wait3A_39 = arith.constant 0 : i32
    %dma_wait3A_40 = tpu.memref_slice %arg12[%dma_wait3A_36, %dma_wait3A_38, %dma_wait3A_39] : memref<5x128x128xf32, #tpu.memory_space<vmem>> -> memref<1x128x128xf32, #tpu.memory_space<vmem>>
    %dma_wait3A_41 = tpu.memref_squeeze %dma_wait3A_40 : memref<1x128x128xf32, #tpu.memory_space<vmem>> -> memref<128x128xf32, #tpu.memory_space<vmem>>
    %dma_wait3A_42 = arith.constant 0 : i32
    %dma_wait3A_43 = tpu.memref_slice %arg7[%mul3A_2, %dma_wait3A_42] : memref<102400x128xf32, #tpu.memory_space<hbm>> -> memref<128x128xf32, #tpu.memory_space<hbm>>
    %dma_wait3A_44 = tpu.memref_slice %arg18[%dma_wait3A_37] : memref<5x!tpu.dma_semaphore, #tpu.memory_space<semaphore_mem>> -> memref<1x!tpu.dma_semaphore, #tpu.memory_space<semaphore_mem>>
    %dma_wait3A_45 = tpu.memref_squeeze %dma_wait3A_44 : memref<1x!tpu.dma_semaphore, #tpu.memory_space<semaphore_mem>> -> memref<!tpu.dma_semaphore, #tpu.memory_space<semaphore_mem>>
    %dma_wait3A_46 = arith.constant 0 : i32
    %dma_wait3A_47 = tpu.memref_slice %arg7[%mul3A_2, %dma_wait3A_46] : memref<102400x128xf32, #tpu.memory_space<hbm>> -> memref<128x128xf32, #tpu.memory_space<hbm>>
    %dma_wait3A_48 = arith.constant 0 : i32
    %dma_wait3A_49 = arith.constant 0 : i32
    %dma_wait3A_50 = tpu.memref_slice %arg12[%dma_wait3A_36, %dma_wait3A_48, %dma_wait3A_49] : memref<5x128x128xf32, #tpu.memory_space<vmem>> -> memref<1x128x128xf32, #tpu.memory_space<vmem>>
    %dma_wait3A_51 = tpu.memref_squeeze %dma_wait3A_50 : memref<1x128x128xf32, #tpu.memory_space<vmem>> -> memref<128x128xf32, #tpu.memory_space<vmem>>
    tpu.wait_dma2 semaphore(%dma_wait3A_45 : memref<!tpu.dma_semaphore, #tpu.memory_space<semaphore_mem>>) src(%dma_wait3A_51 : memref<128x128xf32, #tpu.memory_space<vmem>>) dst(%dma_wait3A_47 : memref<128x128xf32, #tpu.memory_space<hbm>>)
    %dma_wait3A_52 = arith.constant 2 : i32
    %dma_wait3A_53 = arith.constant 2 : i32
    %dma_wait3A_54 = arith.constant 0 : i32
    %dma_wait3A_55 = arith.constant 0 : i32
    %dma_wait3A_56 = tpu.memref_slice %arg12[%dma_wait3A_52, %dma_wait3A_54, %dma_wait3A_55] : memref<5x128x128xf32, #tpu.memory_space<vmem>> -> memref<1x128x128xf32, #tpu.memory_space<vmem>>
    %dma_wait3A_57 = tpu.memref_squeeze %dma_wait3A_56 : memref<1x128x128xf32, #tpu.memory_space<vmem>> -> memref<128x128xf32, #tpu.memory_space<vmem>>
    %dma_wait3A_58 = arith.constant 0 : i32
    %dma_wait3A_59 = tpu.memref_slice %arg7[%mul3A_2, %dma_wait3A_58] : memref<102400x128xf32, #tpu.memory_space<hbm>> -> memref<128x128xf32, #tpu.memory_space<hbm>>
    %dma_wait3A_60 = tpu.memref_slice %arg18[%dma_wait3A_53] : memref<5x!tpu.dma_semaphore, #tpu.memory_space<semaphore_mem>> -> memref<1x!tpu.dma_semaphore, #tpu.memory_space<semaphore_mem>>
    %dma_wait3A_61 = tpu.memref_squeeze %dma_wait3A_60 : memref<1x!tpu.dma_semaphore, #tpu.memory_space<semaphore_mem>> -> memref<!tpu.dma_semaphore, #tpu.memory_space<semaphore_mem>>
    %dma_wait3A_62 = arith.constant 0 : i32
    %dma_wait3A_63 = tpu.memref_slice %arg7[%mul3A_2, %dma_wait3A_62] : memref<102400x128xf32, #tpu.memory_space<hbm>> -> memref<128x128xf32, #tpu.memory_space<hbm>>
    %dma_wait3A_64 = arith.constant 0 : i32
    %dma_wait3A_65 = arith.constant 0 : i32
    %dma_wait3A_66 = tpu.memref_slice %arg12[%dma_wait3A_52, %dma_wait3A_64, %dma_wait3A_65] : memref<5x128x128xf32, #tpu.memory_space<vmem>> -> memref<1x128x128xf32, #tpu.memory_space<vmem>>
    %dma_wait3A_67 = tpu.memref_squeeze %dma_wait3A_66 : memref<1x128x128xf32, #tpu.memory_space<vmem>> -> memref<128x128xf32, #tpu.memory_space<vmem>>
    tpu.wait_dma2 semaphore(%dma_wait3A_61 : memref<!tpu.dma_semaphore, #tpu.memory_space<semaphore_mem>>) src(%dma_wait3A_67 : memref<128x128xf32, #tpu.memory_space<vmem>>) dst(%dma_wait3A_63 : memref<128x128xf32, #tpu.memory_space<hbm>>)
    %dma_wait3A_68 = arith.constant 3 : i32
    %dma_wait3A_69 = arith.constant 3 : i32
    %dma_wait3A_70 = arith.constant 0 : i32
    %dma_wait3A_71 = arith.constant 0 : i32
    %dma_wait3A_72 = tpu.memref_slice %arg12[%dma_wait3A_68, %dma_wait3A_70, %dma_wait3A_71] : memref<5x128x128xf32, #tpu.memory_space<vmem>> -> memref<1x128x128xf32, #tpu.memory_space<vmem>>
    %dma_wait3A_73 = tpu.memref_squeeze %dma_wait3A_72 : memref<1x128x128xf32, #tpu.memory_space<vmem>> -> memref<128x128xf32, #tpu.memory_space<vmem>>
    %dma_wait3A_74 = arith.constant 0 : i32
    %dma_wait3A_75 = tpu.memref_slice %arg7[%mul3A_2, %dma_wait3A_74] : memref<102400x128xf32, #tpu.memory_space<hbm>> -> memref<128x128xf32, #tpu.memory_space<hbm>>
    %dma_wait3A_76 = tpu.memref_slice %arg18[%dma_wait3A_69] : memref<5x!tpu.dma_semaphore, #tpu.memory_space<semaphore_mem>> -> memref<1x!tpu.dma_semaphore, #tpu.memory_space<semaphore_mem>>
    %dma_wait3A_77 = tpu.memref_squeeze %dma_wait3A_76 : memref<1x!tpu.dma_semaphore, #tpu.memory_space<semaphore_mem>> -> memref<!tpu.dma_semaphore, #tpu.memory_space<semaphore_mem>>
    %dma_wait3A_78 = arith.constant 0 : i32
    %dma_wait3A_79 = tpu.memref_slice %arg7[%mul3A_2, %dma_wait3A_78] : memref<102400x128xf32, #tpu.memory_space<hbm>> -> memref<128x128xf32, #tpu.memory_space<hbm>>
    %dma_wait3A_80 = arith.constant 0 : i32
    %dma_wait3A_81 = arith.constant 0 : i32
    %dma_wait3A_82 = tpu.memref_slice %arg12[%dma_wait3A_68, %dma_wait3A_80, %dma_wait3A_81] : memref<5x128x128xf32, #tpu.memory_space<vmem>> -> memref<1x128x128xf32, #tpu.memory_space<vmem>>
    %dma_wait3A_83 = tpu.memref_squeeze %dma_wait3A_82 : memref<1x128x128xf32, #tpu.memory_space<vmem>> -> memref<128x128xf32, #tpu.memory_space<vmem>>
    tpu.wait_dma2 semaphore(%dma_wait3A_77 : memref<!tpu.dma_semaphore, #tpu.memory_space<semaphore_mem>>) src(%dma_wait3A_83 : memref<128x128xf32, #tpu.memory_space<vmem>>) dst(%dma_wait3A_79 : memref<128x128xf32, #tpu.memory_space<hbm>>)
    %dma_wait3A_84 = arith.constant 4 : i32
    %dma_wait3A_85 = arith.constant 4 : i32
    %dma_wait3A_86 = arith.constant 0 : i32
    %dma_wait3A_87 = arith.constant 0 : i32
    %dma_wait3A_88 = tpu.memref_slice %arg12[%dma_wait3A_84, %dma_wait3A_86, %dma_wait3A_87] : memref<5x128x128xf32, #tpu.memory_space<vmem>> -> memref<1x128x128xf32, #tpu.memory_space<vmem>>
    %dma_wait3A_89 = tpu.memref_squeeze %dma_wait3A_88 : memref<1x128x128xf32, #tpu.memory_space<vmem>> -> memref<128x128xf32, #tpu.memory_space<vmem>>
    %dma_wait3A_90 = arith.constant 0 : i32
    %dma_wait3A_91 = tpu.memref_slice %arg7[%mul3A_2, %dma_wait3A_90] : memref<102400x128xf32, #tpu.memory_space<hbm>> -> memref<128x128xf32, #tpu.memory_space<hbm>>
    %dma_wait3A_92 = tpu.memref_slice %arg18[%dma_wait3A_85] : memref<5x!tpu.dma_semaphore, #tpu.memory_space<semaphore_mem>> -> memref<1x!tpu.dma_semaphore, #tpu.memory_space<semaphore_mem>>
    %dma_wait3A_93 = tpu.memref_squeeze %dma_wait3A_92 : memref<1x!tpu.dma_semaphore, #tpu.memory_space<semaphore_mem>> -> memref<!tpu.dma_semaphore, #tpu.memory_space<semaphore_mem>>
    %dma_wait3A_94 = arith.constant 0 : i32
    %dma_wait3A_95 = tpu.memref_slice %arg7[%mul3A_2, %dma_wait3A_94] : memref<102400x128xf32, #tpu.memory_space<hbm>> -> memref<128x128xf32, #tpu.memory_space<hbm>>
    %dma_wait3A_96 = arith.constant 0 : i32
    %dma_wait3A_97 = arith.constant 0 : i32
    %dma_wait3A_98 = tpu.memref_slice %arg12[%dma_wait3A_84, %dma_wait3A_96, %dma_wait3A_97] : memref<5x128x128xf32, #tpu.memory_space<vmem>> -> memref<1x128x128xf32, #tpu.memory_space<vmem>>
    %dma_wait3A_99 = tpu.memref_squeeze %dma_wait3A_98 : memref<1x128x128xf32, #tpu.memory_space<vmem>> -> memref<128x128xf32, #tpu.memory_space<vmem>>
    tpu.wait_dma2 semaphore(%dma_wait3A_93 : memref<!tpu.dma_semaphore, #tpu.memory_space<semaphore_mem>>) src(%dma_wait3A_99 : memref<128x128xf32, #tpu.memory_space<vmem>>) dst(%dma_wait3A_95 : memref<128x128xf32, #tpu.memory_space<hbm>>)
    %scan3A_100 = arith.constant 0 : i32
    %scan3A_101 = arith.constant 0 : i32
    %scan3A_102 = arith.constant 5 : i32
    %scan3A_103 = arith.addi %scan3A_101, %scan3A_102 : i32
    %scan3A_104 = arith.constant 1 : i32
    scf.for %scan3A_196 = %scan3A_101 to %scan3A_103 step %scan3A_104  : i32 {
      %mul3A_197 = arith.constant 5 : i32
      %mul3A_198 = arith.muli %scan3A_196, %mul3A_197 : i32
      %gt3A = arith.constant 0 : i32
      %gt3A_199 = arith.cmpi sgt, %scan3A_196, %gt3A : i32
      %convert_element_type3A_200 = arith.extui %gt3A_199 : i1 to i32
      %cond3A_201 = arith.constant 0 : i32
      %cond3A_202 = arith.cmpi ne, %convert_element_type3A_200, %cond3A_201 : i32
      scf.if %cond3A_202 {
        %dma_wait3A_478 = arith.constant 0 : i32
        %dma_wait3A_479 = arith.constant 0 : i32
        %dma_wait3A_480 = arith.constant 0 : i32
        %dma_wait3A_481 = arith.constant 0 : i32
        %dma_wait3A_482 = tpu.memref_slice %arg12[%dma_wait3A_478, %dma_wait3A_480, %dma_wait3A_481] : memref<5x128x128xf32, #tpu.memory_space<vmem>> -> memref<1x128x128xf32, #tpu.memory_space<vmem>>
        %dma_wait3A_483 = tpu.memref_squeeze %dma_wait3A_482 : memref<1x128x128xf32, #tpu.memory_space<vmem>> -> memref<128x128xf32, #tpu.memory_space<vmem>>
        %dma_wait3A_484 = arith.constant 0 : i32
        %dma_wait3A_485 = tpu.memref_slice %arg8[%mul3A_2, %dma_wait3A_484] : memref<102400x128xf32, #tpu.memory_space<hbm>> -> memref<128x128xf32, #tpu.memory_space<hbm>>
        %dma_wait3A_486 = tpu.memref_slice %arg18[%dma_wait3A_479] : memref<5x!tpu.dma_semaphore, #tpu.memory_space<semaphore_mem>> -> memref<1x!tpu.dma_semaphore, #tpu.memory_space<semaphore_mem>>
        %dma_wait3A_487 = tpu.memref_squeeze %dma_wait3A_486 : memref<1x!tpu.dma_semaphore, #tpu.memory_space<semaphore_mem>> -> memref<!tpu.dma_semaphore, #tpu.memory_space<semaphore_mem>>
        %dma_wait3A_488 = arith.constant 0 : i32
        %dma_wait3A_489 = tpu.memref_slice %arg8[%mul3A_2, %dma_wait3A_488] : memref<102400x128xf32, #tpu.memory_space<hbm>> -> memref<128x128xf32, #tpu.memory_space<hbm>>
        %dma_wait3A_490 = arith.constant 0 : i32
        %dma_wait3A_491 = arith.constant 0 : i32
        %dma_wait3A_492 = tpu.memref_slice %arg12[%dma_wait3A_478, %dma_wait3A_490, %dma_wait3A_491] : memref<5x128x128xf32, #tpu.memory_space<vmem>> -> memref<1x128x128xf32, #tpu.memory_space<vmem>>
        %dma_wait3A_493 = tpu.memref_squeeze %dma_wait3A_492 : memref<1x128x128xf32, #tpu.memory_space<vmem>> -> memref<128x128xf32, #tpu.memory_space<vmem>>
        tpu.wait_dma2 semaphore(%dma_wait3A_487 : memref<!tpu.dma_semaphore, #tpu.memory_space<semaphore_mem>>) src(%dma_wait3A_493 : memref<128x128xf32, #tpu.memory_space<vmem>>) dst(%dma_wait3A_489 : memref<128x128xf32, #tpu.memory_space<hbm>>)
      } else {
      }
      %add3A_203 = arith.constant 0 : i32
      %add3A_204 = arith.addi %mul3A_198, %add3A_203 : i32
      %mul3A_205 = arith.constant 128 : i32
      %mul3A_206 = arith.muli %add3A_204, %mul3A_205 : i32
      %add3A_207 = arith.constant 3200 : i32
      %add3A_208 = arith.addi %add3A_207, %mul3A_206 : i32
      %dma_start3A_209 = arith.constant 0 : i32
      %dma_start3A_210 = arith.constant 0 : i32
      %dma_start3A_211 = arith.constant 0 : i32
      %dma_start3A_212 = arith.constant 0 : i32
      %dma_start3A_213 = tpu.memref_slice %arg12[%dma_start3A_209, %dma_start3A_211, %dma_start3A_212] : memref<5x128x128xf32, #tpu.memory_space<vmem>> -> memref<1x128x128xf32, #tpu.memory_space<vmem>>
      %dma_start3A_214 = tpu.memref_squeeze %dma_start3A_213 : memref<1x128x128xf32, #tpu.memory_space<vmem>> -> memref<128x128xf32, #tpu.memory_space<vmem>>
      %dma_start3A_215 = tpu.memref_slice %arg11[%add3A_208] : memref<6400xi32, #tpu.memory_space<vmem>> -> memref<128xi32, #tpu.memory_space<vmem>>
      %dma_start3A_216 = arith.constant 0 : i32
      %dma_start3A_217 = arith.constant 0 : i32
      %dma_start3A_218 = tpu.memref_slice %arg20[%dma_start3A_216, %dma_start3A_217] : memref<200x128xf32, #tpu.memory_space<vmem_shared>> -> memref<200x128xf32, #tpu.memory_space<vmem_shared>>
      %dma_start3A_219 = tpu.memref_slice %arg17[%dma_start3A_210] : memref<5x!tpu.dma_semaphore, #tpu.memory_space<semaphore_mem>> -> memref<1x!tpu.dma_semaphore, #tpu.memory_space<semaphore_mem>>
      %dma_start3A_220 = tpu.memref_squeeze %dma_start3A_219 : memref<1x!tpu.dma_semaphore, #tpu.memory_space<semaphore_mem>> -> memref<!tpu.dma_semaphore, #tpu.memory_space<semaphore_mem>>
      tpu.enqueue_indirect_dma source(%dma_start3A_218 : memref<200x128xf32, #tpu.memory_space<vmem_shared>>) target(%dma_start3A_214 : memref<128x128xf32, #tpu.memory_space<vmem>>) offsets(%dma_start3A_215 : memref<128xi32, #tpu.memory_space<vmem>>) semaphore(%dma_start3A_220 : memref<!tpu.dma_semaphore, #tpu.memory_space<semaphore_mem>>)
      %gt3A_221 = arith.constant 0 : i32
      %gt3A_222 = arith.cmpi sgt, %scan3A_196, %gt3A_221 : i32
      %convert_element_type3A_223 = arith.extui %gt3A_222 : i1 to i32
      %cond3A_224 = arith.constant 0 : i32
      %cond3A_225 = arith.cmpi ne, %convert_element_type3A_223, %cond3A_224 : i32
      scf.if %cond3A_225 {
        %dma_wait3A_478 = arith.constant 1 : i32
        %dma_wait3A_479 = arith.constant 1 : i32
        %dma_wait3A_480 = arith.constant 0 : i32
        %dma_wait3A_481 = arith.constant 0 : i32
        %dma_wait3A_482 = tpu.memref_slice %arg12[%dma_wait3A_478, %dma_wait3A_480, %dma_wait3A_481] : memref<5x128x128xf32, #tpu.memory_space<vmem>> -> memref<1x128x128xf32, #tpu.memory_space<vmem>>
        %dma_wait3A_483 = tpu.memref_squeeze %dma_wait3A_482 : memref<1x128x128xf32, #tpu.memory_space<vmem>> -> memref<128x128xf32, #tpu.memory_space<vmem>>
        %dma_wait3A_484 = arith.constant 0 : i32
        %dma_wait3A_485 = tpu.memref_slice %arg8[%mul3A_2, %dma_wait3A_484] : memref<102400x128xf32, #tpu.memory_space<hbm>> -> memref<128x128xf32, #tpu.memory_space<hbm>>
        %dma_wait3A_486 = tpu.memref_slice %arg18[%dma_wait3A_479] : memref<5x!tpu.dma_semaphore, #tpu.memory_space<semaphore_mem>> -> memref<1x!tpu.dma_semaphore, #tpu.memory_space<semaphore_mem>>
        %dma_wait3A_487 = tpu.memref_squeeze %dma_wait3A_486 : memref<1x!tpu.dma_semaphore, #tpu.memory_space<semaphore_mem>> -> memref<!tpu.dma_semaphore, #tpu.memory_space<semaphore_mem>>
        %dma_wait3A_488 = arith.constant 0 : i32
        %dma_wait3A_489 = tpu.memref_slice %arg8[%mul3A_2, %dma_wait3A_488] : memref<102400x128xf32, #tpu.memory_space<hbm>> -> memref<128x128xf32, #tpu.memory_space<hbm>>
        %dma_wait3A_490 = arith.constant 0 : i32
        %dma_wait3A_491 = arith.constant 0 : i32
        %dma_wait3A_492 = tpu.memref_slice %arg12[%dma_wait3A_478, %dma_wait3A_490, %dma_wait3A_491] : memref<5x128x128xf32, #tpu.memory_space<vmem>> -> memref<1x128x128xf32, #tpu.memory_space<vmem>>
        %dma_wait3A_493 = tpu.memref_squeeze %dma_wait3A_492 : memref<1x128x128xf32, #tpu.memory_space<vmem>> -> memref<128x128xf32, #tpu.memory_space<vmem>>
        tpu.wait_dma2 semaphore(%dma_wait3A_487 : memref<!tpu.dma_semaphore, #tpu.memory_space<semaphore_mem>>) src(%dma_wait3A_493 : memref<128x128xf32, #tpu.memory_space<vmem>>) dst(%dma_wait3A_489 : memref<128x128xf32, #tpu.memory_space<hbm>>)
      } else {
      }
      %add3A_226 = arith.constant 1 : i32
      %add3A_227 = arith.addi %mul3A_198, %add3A_226 : i32
      %mul3A_228 = arith.constant 128 : i32
      %mul3A_229 = arith.muli %add3A_227, %mul3A_228 : i32
      %add3A_230 = arith.constant 3200 : i32
      %add3A_231 = arith.addi %add3A_230, %mul3A_229 : i32
      %dma_start3A_232 = arith.constant 1 : i32
      %dma_start3A_233 = arith.constant 1 : i32
      %dma_start3A_234 = arith.constant 0 : i32
      %dma_start3A_235 = arith.constant 0 : i32
      %dma_start3A_236 = tpu.memref_slice %arg12[%dma_start3A_232, %dma_start3A_234, %dma_start3A_235] : memref<5x128x128xf32, #tpu.memory_space<vmem>> -> memref<1x128x128xf32, #tpu.memory_space<vmem>>
      %dma_start3A_237 = tpu.memref_squeeze %dma_start3A_236 : memref<1x128x128xf32, #tpu.memory_space<vmem>> -> memref<128x128xf32, #tpu.memory_space<vmem>>
      %dma_start3A_238 = tpu.memref_slice %arg11[%add3A_231] : memref<6400xi32, #tpu.memory_space<vmem>> -> memref<128xi32, #tpu.memory_space<vmem>>
      %dma_start3A_239 = arith.constant 0 : i32
      %dma_start3A_240 = arith.constant 0 : i32
      %dma_start3A_241 = tpu.memref_slice %arg20[%dma_start3A_239, %dma_start3A_240] : memref<200x128xf32, #tpu.memory_space<vmem_shared>> -> memref<200x128xf32, #tpu.memory_space<vmem_shared>>
      %dma_start3A_242 = tpu.memref_slice %arg17[%dma_start3A_233] : memref<5x!tpu.dma_semaphore, #tpu.memory_space<semaphore_mem>> -> memref<1x!tpu.dma_semaphore, #tpu.memory_space<semaphore_mem>>
      %dma_start3A_243 = tpu.memref_squeeze %dma_start3A_242 : memref<1x!tpu.dma_semaphore, #tpu.memory_space<semaphore_mem>> -> memref<!tpu.dma_semaphore, #tpu.memory_space<semaphore_mem>>
      tpu.enqueue_indirect_dma source(%dma_start3A_241 : memref<200x128xf32, #tpu.memory_space<vmem_shared>>) target(%dma_start3A_237 : memref<128x128xf32, #tpu.memory_space<vmem>>) offsets(%dma_start3A_238 : memref<128xi32, #tpu.memory_space<vmem>>) semaphore(%dma_start3A_243 : memref<!tpu.dma_semaphore, #tpu.memory_space<semaphore_mem>>)
      %gt3A_244 = arith.constant 0 : i32
      %gt3A_245 = arith.cmpi sgt, %scan3A_196, %gt3A_244 : i32
      %convert_element_type3A_246 = arith.extui %gt3A_245 : i1 to i32
      %cond3A_247 = arith.constant 0 : i32
      %cond3A_248 = arith.cmpi ne, %convert_element_type3A_246, %cond3A_247 : i32
      scf.if %cond3A_248 {
        %dma_wait3A_478 = arith.constant 2 : i32
        %dma_wait3A_479 = arith.constant 2 : i32
        %dma_wait3A_480 = arith.constant 0 : i32
        %dma_wait3A_481 = arith.constant 0 : i32
        %dma_wait3A_482 = tpu.memref_slice %arg12[%dma_wait3A_478, %dma_wait3A_480, %dma_wait3A_481] : memref<5x128x128xf32, #tpu.memory_space<vmem>> -> memref<1x128x128xf32, #tpu.memory_space<vmem>>
        %dma_wait3A_483 = tpu.memref_squeeze %dma_wait3A_482 : memref<1x128x128xf32, #tpu.memory_space<vmem>> -> memref<128x128xf32, #tpu.memory_space<vmem>>
        %dma_wait3A_484 = arith.constant 0 : i32
        %dma_wait3A_485 = tpu.memref_slice %arg8[%mul3A_2, %dma_wait3A_484] : memref<102400x128xf32, #tpu.memory_space<hbm>> -> memref<128x128xf32, #tpu.memory_space<hbm>>
        %dma_wait3A_486 = tpu.memref_slice %arg18[%dma_wait3A_479] : memref<5x!tpu.dma_semaphore, #tpu.memory_space<semaphore_mem>> -> memref<1x!tpu.dma_semaphore, #tpu.memory_space<semaphore_mem>>
        %dma_wait3A_487 = tpu.memref_squeeze %dma_wait3A_486 : memref<1x!tpu.dma_semaphore, #tpu.memory_space<semaphore_mem>> -> memref<!tpu.dma_semaphore, #tpu.memory_space<semaphore_mem>>
        %dma_wait3A_488 = arith.constant 0 : i32
        %dma_wait3A_489 = tpu.memref_slice %arg8[%mul3A_2, %dma_wait3A_488] : memref<102400x128xf32, #tpu.memory_space<hbm>> -> memref<128x128xf32, #tpu.memory_space<hbm>>
        %dma_wait3A_490 = arith.constant 0 : i32
        %dma_wait3A_491 = arith.constant 0 : i32
        %dma_wait3A_492 = tpu.memref_slice %arg12[%dma_wait3A_478, %dma_wait3A_490, %dma_wait3A_491] : memref<5x128x128xf32, #tpu.memory_space<vmem>> -> memref<1x128x128xf32, #tpu.memory_space<vmem>>
        %dma_wait3A_493 = tpu.memref_squeeze %dma_wait3A_492 : memref<1x128x128xf32, #tpu.memory_space<vmem>> -> memref<128x128xf32, #tpu.memory_space<vmem>>
        tpu.wait_dma2 semaphore(%dma_wait3A_487 : memref<!tpu.dma_semaphore, #tpu.memory_space<semaphore_mem>>) src(%dma_wait3A_493 : memref<128x128xf32, #tpu.memory_space<vmem>>) dst(%dma_wait3A_489 : memref<128x128xf32, #tpu.memory_space<hbm>>)
      } else {
      }
      %add3A_249 = arith.constant 2 : i32
      %add3A_250 = arith.addi %mul3A_198, %add3A_249 : i32
      %mul3A_251 = arith.constant 128 : i32
      %mul3A_252 = arith.muli %add3A_250, %mul3A_251 : i32
      %add3A_253 = arith.constant 3200 : i32
      %add3A_254 = arith.addi %add3A_253, %mul3A_252 : i32
      %dma_start3A_255 = arith.constant 2 : i32
      %dma_start3A_256 = arith.constant 2 : i32
      %dma_start3A_257 = arith.constant 0 : i32
      %dma_start3A_258 = arith.constant 0 : i32
      %dma_start3A_259 = tpu.memref_slice %arg12[%dma_start3A_255, %dma_start3A_257, %dma_start3A_258] : memref<5x128x128xf32, #tpu.memory_space<vmem>> -> memref<1x128x128xf32, #tpu.memory_space<vmem>>
      %dma_start3A_260 = tpu.memref_squeeze %dma_start3A_259 : memref<1x128x128xf32, #tpu.memory_space<vmem>> -> memref<128x128xf32, #tpu.memory_space<vmem>>
      %dma_start3A_261 = tpu.memref_slice %arg11[%add3A_254] : memref<6400xi32, #tpu.memory_space<vmem>> -> memref<128xi32, #tpu.memory_space<vmem>>
      %dma_start3A_262 = arith.constant 0 : i32
      %dma_start3A_263 = arith.constant 0 : i32
      %dma_start3A_264 = tpu.memref_slice %arg20[%dma_start3A_262, %dma_start3A_263] : memref<200x128xf32, #tpu.memory_space<vmem_shared>> -> memref<200x128xf32, #tpu.memory_space<vmem_shared>>
      %dma_start3A_265 = tpu.memref_slice %arg17[%dma_start3A_256] : memref<5x!tpu.dma_semaphore, #tpu.memory_space<semaphore_mem>> -> memref<1x!tpu.dma_semaphore, #tpu.memory_space<semaphore_mem>>
      %dma_start3A_266 = tpu.memref_squeeze %dma_start3A_265 : memref<1x!tpu.dma_semaphore, #tpu.memory_space<semaphore_mem>> -> memref<!tpu.dma_semaphore, #tpu.memory_space<semaphore_mem>>
      tpu.enqueue_indirect_dma source(%dma_start3A_264 : memref<200x128xf32, #tpu.memory_space<vmem_shared>>) target(%dma_start3A_260 : memref<128x128xf32, #tpu.memory_space<vmem>>) offsets(%dma_start3A_261 : memref<128xi32, #tpu.memory_space<vmem>>) semaphore(%dma_start3A_266 : memref<!tpu.dma_semaphore, #tpu.memory_space<semaphore_mem>>)
      %gt3A_267 = arith.constant 0 : i32
      %gt3A_268 = arith.cmpi sgt, %scan3A_196, %gt3A_267 : i32
      %convert_element_type3A_269 = arith.extui %gt3A_268 : i1 to i32
      %cond3A_270 = arith.constant 0 : i32
      %cond3A_271 = arith.cmpi ne, %convert_element_type3A_269, %cond3A_270 : i32
      scf.if %cond3A_271 {
        %dma_wait3A_478 = arith.constant 3 : i32
        %dma_wait3A_479 = arith.constant 3 : i32
        %dma_wait3A_480 = arith.constant 0 : i32
        %dma_wait3A_481 = arith.constant 0 : i32
        %dma_wait3A_482 = tpu.memref_slice %arg12[%dma_wait3A_478, %dma_wait3A_480, %dma_wait3A_481] : memref<5x128x128xf32, #tpu.memory_space<vmem>> -> memref<1x128x128xf32, #tpu.memory_space<vmem>>
        %dma_wait3A_483 = tpu.memref_squeeze %dma_wait3A_482 : memref<1x128x128xf32, #tpu.memory_space<vmem>> -> memref<128x128xf32, #tpu.memory_space<vmem>>
        %dma_wait3A_484 = arith.constant 0 : i32
        %dma_wait3A_485 = tpu.memref_slice %arg8[%mul3A_2, %dma_wait3A_484] : memref<102400x128xf32, #tpu.memory_space<hbm>> -> memref<128x128xf32, #tpu.memory_space<hbm>>
        %dma_wait3A_486 = tpu.memref_slice %arg18[%dma_wait3A_479] : memref<5x!tpu.dma_semaphore, #tpu.memory_space<semaphore_mem>> -> memref<1x!tpu.dma_semaphore, #tpu.memory_space<semaphore_mem>>
        %dma_wait3A_487 = tpu.memref_squeeze %dma_wait3A_486 : memref<1x!tpu.dma_semaphore, #tpu.memory_space<semaphore_mem>> -> memref<!tpu.dma_semaphore, #tpu.memory_space<semaphore_mem>>
        %dma_wait3A_488 = arith.constant 0 : i32
        %dma_wait3A_489 = tpu.memref_slice %arg8[%mul3A_2, %dma_wait3A_488] : memref<102400x128xf32, #tpu.memory_space<hbm>> -> memref<128x128xf32, #tpu.memory_space<hbm>>
        %dma_wait3A_490 = arith.constant 0 : i32
        %dma_wait3A_491 = arith.constant 0 : i32
        %dma_wait3A_492 = tpu.memref_slice %arg12[%dma_wait3A_478, %dma_wait3A_490, %dma_wait3A_491] : memref<5x128x128xf32, #tpu.memory_space<vmem>> -> memref<1x128x128xf32, #tpu.memory_space<vmem>>
        %dma_wait3A_493 = tpu.memref_squeeze %dma_wait3A_492 : memref<1x128x128xf32, #tpu.memory_space<vmem>> -> memref<128x128xf32, #tpu.memory_space<vmem>>
        tpu.wait_dma2 semaphore(%dma_wait3A_487 : memref<!tpu.dma_semaphore, #tpu.memory_space<semaphore_mem>>) src(%dma_wait3A_493 : memref<128x128xf32, #tpu.memory_space<vmem>>) dst(%dma_wait3A_489 : memref<128x128xf32, #tpu.memory_space<hbm>>)
      } else {
      }
      %add3A_272 = arith.constant 3 : i32
      %add3A_273 = arith.addi %mul3A_198, %add3A_272 : i32
      %mul3A_274 = arith.constant 128 : i32
      %mul3A_275 = arith.muli %add3A_273, %mul3A_274 : i32
      %add3A_276 = arith.constant 3200 : i32
      %add3A_277 = arith.addi %add3A_276, %mul3A_275 : i32
      %dma_start3A_278 = arith.constant 3 : i32
      %dma_start3A_279 = arith.constant 3 : i32
      %dma_start3A_280 = arith.constant 0 : i32
      %dma_start3A_281 = arith.constant 0 : i32
      %dma_start3A_282 = tpu.memref_slice %arg12[%dma_start3A_278, %dma_start3A_280, %dma_start3A_281] : memref<5x128x128xf32, #tpu.memory_space<vmem>> -> memref<1x128x128xf32, #tpu.memory_space<vmem>>
      %dma_start3A_283 = tpu.memref_squeeze %dma_start3A_282 : memref<1x128x128xf32, #tpu.memory_space<vmem>> -> memref<128x128xf32, #tpu.memory_space<vmem>>
      %dma_start3A_284 = tpu.memref_slice %arg11[%add3A_277] : memref<6400xi32, #tpu.memory_space<vmem>> -> memref<128xi32, #tpu.memory_space<vmem>>
      %dma_start3A_285 = arith.constant 0 : i32
      %dma_start3A_286 = arith.constant 0 : i32
      %dma_start3A_287 = tpu.memref_slice %arg20[%dma_start3A_285, %dma_start3A_286] : memref<200x128xf32, #tpu.memory_space<vmem_shared>> -> memref<200x128xf32, #tpu.memory_space<vmem_shared>>
      %dma_start3A_288 = tpu.memref_slice %arg17[%dma_start3A_279] : memref<5x!tpu.dma_semaphore, #tpu.memory_space<semaphore_mem>> -> memref<1x!tpu.dma_semaphore, #tpu.memory_space<semaphore_mem>>
      %dma_start3A_289 = tpu.memref_squeeze %dma_start3A_288 : memref<1x!tpu.dma_semaphore, #tpu.memory_space<semaphore_mem>> -> memref<!tpu.dma_semaphore, #tpu.memory_space<semaphore_mem>>
      tpu.enqueue_indirect_dma source(%dma_start3A_287 : memref<200x128xf32, #tpu.memory_space<vmem_shared>>) target(%dma_start3A_283 : memref<128x128xf32, #tpu.memory_space<vmem>>) offsets(%dma_start3A_284 : memref<128xi32, #tpu.memory_space<vmem>>) semaphore(%dma_start3A_289 : memref<!tpu.dma_semaphore, #tpu.memory_space<semaphore_mem>>)
      %gt3A_290 = arith.constant 0 : i32
      %gt3A_291 = arith.cmpi sgt, %scan3A_196, %gt3A_290 : i32
      %convert_element_type3A_292 = arith.extui %gt3A_291 : i1 to i32
      %cond3A_293 = arith.constant 0 : i32
      %cond3A_294 = arith.cmpi ne, %convert_element_type3A_292, %cond3A_293 : i32
      scf.if %cond3A_294 {
        %dma_wait3A_478 = arith.constant 4 : i32
        %dma_wait3A_479 = arith.constant 4 : i32
        %dma_wait3A_480 = arith.constant 0 : i32
        %dma_wait3A_481 = arith.constant 0 : i32
        %dma_wait3A_482 = tpu.memref_slice %arg12[%dma_wait3A_478, %dma_wait3A_480, %dma_wait3A_481] : memref<5x128x128xf32, #tpu.memory_space<vmem>> -> memref<1x128x128xf32, #tpu.memory_space<vmem>>
        %dma_wait3A_483 = tpu.memref_squeeze %dma_wait3A_482 : memref<1x128x128xf32, #tpu.memory_space<vmem>> -> memref<128x128xf32, #tpu.memory_space<vmem>>
        %dma_wait3A_484 = arith.constant 0 : i32
        %dma_wait3A_485 = tpu.memref_slice %arg8[%mul3A_2, %dma_wait3A_484] : memref<102400x128xf32, #tpu.memory_space<hbm>> -> memref<128x128xf32, #tpu.memory_space<hbm>>
        %dma_wait3A_486 = tpu.memref_slice %arg18[%dma_wait3A_479] : memref<5x!tpu.dma_semaphore, #tpu.memory_space<semaphore_mem>> -> memref<1x!tpu.dma_semaphore, #tpu.memory_space<semaphore_mem>>
        %dma_wait3A_487 = tpu.memref_squeeze %dma_wait3A_486 : memref<1x!tpu.dma_semaphore, #tpu.memory_space<semaphore_mem>> -> memref<!tpu.dma_semaphore, #tpu.memory_space<semaphore_mem>>
        %dma_wait3A_488 = arith.constant 0 : i32
        %dma_wait3A_489 = tpu.memref_slice %arg8[%mul3A_2, %dma_wait3A_488] : memref<102400x128xf32, #tpu.memory_space<hbm>> -> memref<128x128xf32, #tpu.memory_space<hbm>>
        %dma_wait3A_490 = arith.constant 0 : i32
        %dma_wait3A_491 = arith.constant 0 : i32
        %dma_wait3A_492 = tpu.memref_slice %arg12[%dma_wait3A_478, %dma_wait3A_490, %dma_wait3A_491] : memref<5x128x128xf32, #tpu.memory_space<vmem>> -> memref<1x128x128xf32, #tpu.memory_space<vmem>>
        %dma_wait3A_493 = tpu.memref_squeeze %dma_wait3A_492 : memref<1x128x128xf32, #tpu.memory_space<vmem>> -> memref<128x128xf32, #tpu.memory_space<vmem>>
        tpu.wait_dma2 semaphore(%dma_wait3A_487 : memref<!tpu.dma_semaphore, #tpu.memory_space<semaphore_mem>>) src(%dma_wait3A_493 : memref<128x128xf32, #tpu.memory_space<vmem>>) dst(%dma_wait3A_489 : memref<128x128xf32, #tpu.memory_space<hbm>>)
      } else {
      }
      %add3A_295 = arith.constant 4 : i32
      %add3A_296 = arith.addi %mul3A_198, %add3A_295 : i32
      %mul3A_297 = arith.constant 128 : i32
      %mul3A_298 = arith.muli %add3A_296, %mul3A_297 : i32
      %add3A_299 = arith.constant 3200 : i32
      %add3A_300 = arith.addi %add3A_299, %mul3A_298 : i32
      %dma_start3A_301 = arith.constant 4 : i32
      %dma_start3A_302 = arith.constant 4 : i32
      %dma_start3A_303 = arith.constant 0 : i32
      %dma_start3A_304 = arith.constant 0 : i32
      %dma_start3A_305 = tpu.memref_slice %arg12[%dma_start3A_301, %dma_start3A_303, %dma_start3A_304] : memref<5x128x128xf32, #tpu.memory_space<vmem>> -> memref<1x128x128xf32, #tpu.memory_space<vmem>>
      %dma_start3A_306 = tpu.memref_squeeze %dma_start3A_305 : memref<1x128x128xf32, #tpu.memory_space<vmem>> -> memref<128x128xf32, #tpu.memory_space<vmem>>
      %dma_start3A_307 = tpu.memref_slice %arg11[%add3A_300] : memref<6400xi32, #tpu.memory_space<vmem>> -> memref<128xi32, #tpu.memory_space<vmem>>
      %dma_start3A_308 = arith.constant 0 : i32
      %dma_start3A_309 = arith.constant 0 : i32
      %dma_start3A_310 = tpu.memref_slice %arg20[%dma_start3A_308, %dma_start3A_309] : memref<200x128xf32, #tpu.memory_space<vmem_shared>> -> memref<200x128xf32, #tpu.memory_space<vmem_shared>>
      %dma_start3A_311 = tpu.memref_slice %arg17[%dma_start3A_302] : memref<5x!tpu.dma_semaphore, #tpu.memory_space<semaphore_mem>> -> memref<1x!tpu.dma_semaphore, #tpu.memory_space<semaphore_mem>>
      %dma_start3A_312 = tpu.memref_squeeze %dma_start3A_311 : memref<1x!tpu.dma_semaphore, #tpu.memory_space<semaphore_mem>> -> memref<!tpu.dma_semaphore, #tpu.memory_space<semaphore_mem>>
      tpu.enqueue_indirect_dma source(%dma_start3A_310 : memref<200x128xf32, #tpu.memory_space<vmem_shared>>) target(%dma_start3A_306 : memref<128x128xf32, #tpu.memory_space<vmem>>) offsets(%dma_start3A_307 : memref<128xi32, #tpu.memory_space<vmem>>) semaphore(%dma_start3A_312 : memref<!tpu.dma_semaphore, #tpu.memory_space<semaphore_mem>>)
      %dma_wait3A_313 = arith.constant 0 : i32
      %dma_wait3A_314 = arith.constant 0 : i32
      %dma_wait3A_315 = arith.constant 0 : i32
      %dma_wait3A_316 = arith.constant 0 : i32
      %dma_wait3A_317 = tpu.memref_slice %arg12[%dma_wait3A_313, %dma_wait3A_315, %dma_wait3A_316] : memref<5x128x128xf32, #tpu.memory_space<vmem>> -> memref<1x128x128xf32, #tpu.memory_space<vmem>>
      %dma_wait3A_318 = tpu.memref_squeeze %dma_wait3A_317 : memref<1x128x128xf32, #tpu.memory_space<vmem>> -> memref<128x128xf32, #tpu.memory_space<vmem>>
      %dma_wait3A_319 = tpu.memref_slice %arg11[%add3A_208] : memref<6400xi32, #tpu.memory_space<vmem>> -> memref<128xi32, #tpu.memory_space<vmem>>
      %dma_wait3A_320 = arith.constant 0 : i32
      %dma_wait3A_321 = arith.constant 0 : i32
      %dma_wait3A_322 = tpu.memref_slice %arg20[%dma_wait3A_320, %dma_wait3A_321] : memref<200x128xf32, #tpu.memory_space<vmem_shared>> -> memref<200x128xf32, #tpu.memory_space<vmem_shared>>
      %dma_wait3A_323 = tpu.memref_slice %arg17[%dma_wait3A_314] : memref<5x!tpu.dma_semaphore, #tpu.memory_space<semaphore_mem>> -> memref<1x!tpu.dma_semaphore, #tpu.memory_space<semaphore_mem>>
      %dma_wait3A_324 = tpu.memref_squeeze %dma_wait3A_323 : memref<1x!tpu.dma_semaphore, #tpu.memory_space<semaphore_mem>> -> memref<!tpu.dma_semaphore, #tpu.memory_space<semaphore_mem>>
      tpu.wait_indirect_dma semaphore(%dma_wait3A_324 : memref<!tpu.dma_semaphore, #tpu.memory_space<semaphore_mem>>) src(%dma_wait3A_322 : memref<200x128xf32, #tpu.memory_space<vmem_shared>>) dst(%dma_wait3A_318 : memref<128x128xf32, #tpu.memory_space<vmem>>)
      %add3A_325 = arith.constant 0 : i32
      %add3A_326 = arith.addi %mul3A_198, %add3A_325 : i32
      %mul3A_327 = arith.constant 128 : i32
      %mul3A_328 = arith.muli %add3A_326, %mul3A_327 : i32
      %add3A_329 = arith.addi %mul3A_2, %mul3A_328 : i32
      %dma_start3A_330 = arith.constant 0 : i32
      %dma_start3A_331 = arith.constant 0 : i32
      %dma_start3A_332 = arith.constant 0 : i32
      %dma_start3A_333 = arith.constant 0 : i32
      %dma_start3A_334 = tpu.memref_slice %arg12[%dma_start3A_330, %dma_start3A_332, %dma_start3A_333] : memref<5x128x128xf32, #tpu.memory_space<vmem>> -> memref<1x128x128xf32, #tpu.memory_space<vmem>>
      %dma_start3A_335 = tpu.memref_squeeze %dma_start3A_334 : memref<1x128x128xf32, #tpu.memory_space<vmem>> -> memref<128x128xf32, #tpu.memory_space<vmem>>
      %dma_start3A_336 = arith.constant 0 : i32
      %dma_start3A_337 = tpu.memref_slice %arg8[%add3A_329, %dma_start3A_336] : memref<102400x128xf32, #tpu.memory_space<hbm>> -> memref<128x128xf32, #tpu.memory_space<hbm>>
      %dma_start3A_338 = tpu.memref_slice %arg18[%dma_start3A_331] : memref<5x!tpu.dma_semaphore, #tpu.memory_space<semaphore_mem>> -> memref<1x!tpu.dma_semaphore, #tpu.memory_space<semaphore_mem>>
      %dma_start3A_339 = tpu.memref_squeeze %dma_start3A_338 : memref<1x!tpu.dma_semaphore, #tpu.memory_space<semaphore_mem>> -> memref<!tpu.dma_semaphore, #tpu.memory_space<semaphore_mem>>
      %dma_start3A_340 = arith.constant 0 : i32
      %dma_start3A_341 = tpu.memref_slice %arg8[%add3A_329, %dma_start3A_340] : memref<102400x128xf32, #tpu.memory_space<hbm>> -> memref<128x128xf32, #tpu.memory_space<hbm>>
      %dma_start3A_342 = arith.constant 0 : i32
      %dma_start3A_343 = arith.constant 0 : i32
      %dma_start3A_344 = tpu.memref_slice %arg12[%dma_start3A_330, %dma_start3A_342, %dma_start3A_343] : memref<5x128x128xf32, #tpu.memory_space<vmem>> -> memref<1x128x128xf32, #tpu.memory_space<vmem>>
      %dma_start3A_345 = tpu.memref_squeeze %dma_start3A_344 : memref<1x128x128xf32, #tpu.memory_space<vmem>> -> memref<128x128xf32, #tpu.memory_space<vmem>>
      tpu.enqueue_dma source(%dma_start3A_345 : memref<128x128xf32, #tpu.memory_space<vmem>>) target(%dma_start3A_341 : memref<128x128xf32, #tpu.memory_space<hbm>>) target_semaphore(%dma_start3A_339 : memref<!tpu.dma_semaphore, #tpu.memory_space<semaphore_mem>>)
      %dma_wait3A_346 = arith.constant 1 : i32
      %dma_wait3A_347 = arith.constant 1 : i32
      %dma_wait3A_348 = arith.constant 0 : i32
      %dma_wait3A_349 = arith.constant 0 : i32
      %dma_wait3A_350 = tpu.memref_slice %arg12[%dma_wait3A_346, %dma_wait3A_348, %dma_wait3A_349] : memref<5x128x128xf32, #tpu.memory_space<vmem>> -> memref<1x128x128xf32, #tpu.memory_space<vmem>>
      %dma_wait3A_351 = tpu.memref_squeeze %dma_wait3A_350 : memref<1x128x128xf32, #tpu.memory_space<vmem>> -> memref<128x128xf32, #tpu.memory_space<vmem>>
      %dma_wait3A_352 = tpu.memref_slice %arg11[%add3A_231] : memref<6400xi32, #tpu.memory_space<vmem>> -> memref<128xi32, #tpu.memory_space<vmem>>
      %dma_wait3A_353 = arith.constant 0 : i32
      %dma_wait3A_354 = arith.constant 0 : i32
      %dma_wait3A_355 = tpu.memref_slice %arg20[%dma_wait3A_353, %dma_wait3A_354] : memref<200x128xf32, #tpu.memory_space<vmem_shared>> -> memref<200x128xf32, #tpu.memory_space<vmem_shared>>
      %dma_wait3A_356 = tpu.memref_slice %arg17[%dma_wait3A_347] : memref<5x!tpu.dma_semaphore, #tpu.memory_space<semaphore_mem>> -> memref<1x!tpu.dma_semaphore, #tpu.memory_space<semaphore_mem>>
      %dma_wait3A_357 = tpu.memref_squeeze %dma_wait3A_356 : memref<1x!tpu.dma_semaphore, #tpu.memory_space<semaphore_mem>> -> memref<!tpu.dma_semaphore, #tpu.memory_space<semaphore_mem>>
      tpu.wait_indirect_dma semaphore(%dma_wait3A_357 : memref<!tpu.dma_semaphore, #tpu.memory_space<semaphore_mem>>) src(%dma_wait3A_355 : memref<200x128xf32, #tpu.memory_space<vmem_shared>>) dst(%dma_wait3A_351 : memref<128x128xf32, #tpu.memory_space<vmem>>)
      %add3A_358 = arith.constant 1 : i32
      %add3A_359 = arith.addi %mul3A_198, %add3A_358 : i32
      %mul3A_360 = arith.constant 128 : i32
      %mul3A_361 = arith.muli %add3A_359, %mul3A_360 : i32
      %add3A_362 = arith.addi %mul3A_2, %mul3A_361 : i32
      %dma_start3A_363 = arith.constant 1 : i32
      %dma_start3A_364 = arith.constant 1 : i32
      %dma_start3A_365 = arith.constant 0 : i32
      %dma_start3A_366 = arith.constant 0 : i32
      %dma_start3A_367 = tpu.memref_slice %arg12[%dma_start3A_363, %dma_start3A_365, %dma_start3A_366] : memref<5x128x128xf32, #tpu.memory_space<vmem>> -> memref<1x128x128xf32, #tpu.memory_space<vmem>>
      %dma_start3A_368 = tpu.memref_squeeze %dma_start3A_367 : memref<1x128x128xf32, #tpu.memory_space<vmem>> -> memref<128x128xf32, #tpu.memory_space<vmem>>
      %dma_start3A_369 = arith.constant 0 : i32
      %dma_start3A_370 = tpu.memref_slice %arg8[%add3A_362, %dma_start3A_369] : memref<102400x128xf32, #tpu.memory_space<hbm>> -> memref<128x128xf32, #tpu.memory_space<hbm>>
      %dma_start3A_371 = tpu.memref_slice %arg18[%dma_start3A_364] : memref<5x!tpu.dma_semaphore, #tpu.memory_space<semaphore_mem>> -> memref<1x!tpu.dma_semaphore, #tpu.memory_space<semaphore_mem>>
      %dma_start3A_372 = tpu.memref_squeeze %dma_start3A_371 : memref<1x!tpu.dma_semaphore, #tpu.memory_space<semaphore_mem>> -> memref<!tpu.dma_semaphore, #tpu.memory_space<semaphore_mem>>
      %dma_start3A_373 = arith.constant 0 : i32
      %dma_start3A_374 = tpu.memref_slice %arg8[%add3A_362, %dma_start3A_373] : memref<102400x128xf32, #tpu.memory_space<hbm>> -> memref<128x128xf32, #tpu.memory_space<hbm>>
      %dma_start3A_375 = arith.constant 0 : i32
      %dma_start3A_376 = arith.constant 0 : i32
      %dma_start3A_377 = tpu.memref_slice %arg12[%dma_start3A_363, %dma_start3A_375, %dma_start3A_376] : memref<5x128x128xf32, #tpu.memory_space<vmem>> -> memref<1x128x128xf32, #tpu.memory_space<vmem>>
      %dma_start3A_378 = tpu.memref_squeeze %dma_start3A_377 : memref<1x128x128xf32, #tpu.memory_space<vmem>> -> memref<128x128xf32, #tpu.memory_space<vmem>>
      tpu.enqueue_dma source(%dma_start3A_378 : memref<128x128xf32, #tpu.memory_space<vmem>>) target(%dma_start3A_374 : memref<128x128xf32, #tpu.memory_space<hbm>>) target_semaphore(%dma_start3A_372 : memref<!tpu.dma_semaphore, #tpu.memory_space<semaphore_mem>>)
      %dma_wait3A_379 = arith.constant 2 : i32
      %dma_wait3A_380 = arith.constant 2 : i32
      %dma_wait3A_381 = arith.constant 0 : i32
      %dma_wait3A_382 = arith.constant 0 : i32
      %dma_wait3A_383 = tpu.memref_slice %arg12[%dma_wait3A_379, %dma_wait3A_381, %dma_wait3A_382] : memref<5x128x128xf32, #tpu.memory_space<vmem>> -> memref<1x128x128xf32, #tpu.memory_space<vmem>>
      %dma_wait3A_384 = tpu.memref_squeeze %dma_wait3A_383 : memref<1x128x128xf32, #tpu.memory_space<vmem>> -> memref<128x128xf32, #tpu.memory_space<vmem>>
      %dma_wait3A_385 = tpu.memref_slice %arg11[%add3A_254] : memref<6400xi32, #tpu.memory_space<vmem>> -> memref<128xi32, #tpu.memory_space<vmem>>
      %dma_wait3A_386 = arith.constant 0 : i32
      %dma_wait3A_387 = arith.constant 0 : i32
      %dma_wait3A_388 = tpu.memref_slice %arg20[%dma_wait3A_386, %dma_wait3A_387] : memref<200x128xf32, #tpu.memory_space<vmem_shared>> -> memref<200x128xf32, #tpu.memory_space<vmem_shared>>
      %dma_wait3A_389 = tpu.memref_slice %arg17[%dma_wait3A_380] : memref<5x!tpu.dma_semaphore, #tpu.memory_space<semaphore_mem>> -> memref<1x!tpu.dma_semaphore, #tpu.memory_space<semaphore_mem>>
      %dma_wait3A_390 = tpu.memref_squeeze %dma_wait3A_389 : memref<1x!tpu.dma_semaphore, #tpu.memory_space<semaphore_mem>> -> memref<!tpu.dma_semaphore, #tpu.memory_space<semaphore_mem>>
      tpu.wait_indirect_dma semaphore(%dma_wait3A_390 : memref<!tpu.dma_semaphore, #tpu.memory_space<semaphore_mem>>) src(%dma_wait3A_388 : memref<200x128xf32, #tpu.memory_space<vmem_shared>>) dst(%dma_wait3A_384 : memref<128x128xf32, #tpu.memory_space<vmem>>)
      %add3A_391 = arith.constant 2 : i32
      %add3A_392 = arith.addi %mul3A_198, %add3A_391 : i32
      %mul3A_393 = arith.constant 128 : i32
      %mul3A_394 = arith.muli %add3A_392, %mul3A_393 : i32
      %add3A_395 = arith.addi %mul3A_2, %mul3A_394 : i32
      %dma_start3A_396 = arith.constant 2 : i32
      %dma_start3A_397 = arith.constant 2 : i32
      %dma_start3A_398 = arith.constant 0 : i32
      %dma_start3A_399 = arith.constant 0 : i32
      %dma_start3A_400 = tpu.memref_slice %arg12[%dma_start3A_396, %dma_start3A_398, %dma_start3A_399] : memref<5x128x128xf32, #tpu.memory_space<vmem>> -> memref<1x128x128xf32, #tpu.memory_space<vmem>>
      %dma_start3A_401 = tpu.memref_squeeze %dma_start3A_400 : memref<1x128x128xf32, #tpu.memory_space<vmem>> -> memref<128x128xf32, #tpu.memory_space<vmem>>
      %dma_start3A_402 = arith.constant 0 : i32
      %dma_start3A_403 = tpu.memref_slice %arg8[%add3A_395, %dma_start3A_402] : memref<102400x128xf32, #tpu.memory_space<hbm>> -> memref<128x128xf32, #tpu.memory_space<hbm>>
      %dma_start3A_404 = tpu.memref_slice %arg18[%dma_start3A_397] : memref<5x!tpu.dma_semaphore, #tpu.memory_space<semaphore_mem>> -> memref<1x!tpu.dma_semaphore, #tpu.memory_space<semaphore_mem>>
      %dma_start3A_405 = tpu.memref_squeeze %dma_start3A_404 : memref<1x!tpu.dma_semaphore, #tpu.memory_space<semaphore_mem>> -> memref<!tpu.dma_semaphore, #tpu.memory_space<semaphore_mem>>
      %dma_start3A_406 = arith.constant 0 : i32
      %dma_start3A_407 = tpu.memref_slice %arg8[%add3A_395, %dma_start3A_406] : memref<102400x128xf32, #tpu.memory_space<hbm>> -> memref<128x128xf32, #tpu.memory_space<hbm>>
      %dma_start3A_408 = arith.constant 0 : i32
      %dma_start3A_409 = arith.constant 0 : i32
      %dma_start3A_410 = tpu.memref_slice %arg12[%dma_start3A_396, %dma_start3A_408, %dma_start3A_409] : memref<5x128x128xf32, #tpu.memory_space<vmem>> -> memref<1x128x128xf32, #tpu.memory_space<vmem>>
      %dma_start3A_411 = tpu.memref_squeeze %dma_start3A_410 : memref<1x128x128xf32, #tpu.memory_space<vmem>> -> memref<128x128xf32, #tpu.memory_space<vmem>>
      tpu.enqueue_dma source(%dma_start3A_411 : memref<128x128xf32, #tpu.memory_space<vmem>>) target(%dma_start3A_407 : memref<128x128xf32, #tpu.memory_space<hbm>>) target_semaphore(%dma_start3A_405 : memref<!tpu.dma_semaphore, #tpu.memory_space<semaphore_mem>>)
      %dma_wait3A_412 = arith.constant 3 : i32
      %dma_wait3A_413 = arith.constant 3 : i32
      %dma_wait3A_414 = arith.constant 0 : i32
      %dma_wait3A_415 = arith.constant 0 : i32
      %dma_wait3A_416 = tpu.memref_slice %arg12[%dma_wait3A_412, %dma_wait3A_414, %dma_wait3A_415] : memref<5x128x128xf32, #tpu.memory_space<vmem>> -> memref<1x128x128xf32, #tpu.memory_space<vmem>>
      %dma_wait3A_417 = tpu.memref_squeeze %dma_wait3A_416 : memref<1x128x128xf32, #tpu.memory_space<vmem>> -> memref<128x128xf32, #tpu.memory_space<vmem>>
      %dma_wait3A_418 = tpu.memref_slice %arg11[%add3A_277] : memref<6400xi32, #tpu.memory_space<vmem>> -> memref<128xi32, #tpu.memory_space<vmem>>
      %dma_wait3A_419 = arith.constant 0 : i32
      %dma_wait3A_420 = arith.constant 0 : i32
      %dma_wait3A_421 = tpu.memref_slice %arg20[%dma_wait3A_419, %dma_wait3A_420] : memref<200x128xf32, #tpu.memory_space<vmem_shared>> -> memref<200x128xf32, #tpu.memory_space<vmem_shared>>
      %dma_wait3A_422 = tpu.memref_slice %arg17[%dma_wait3A_413] : memref<5x!tpu.dma_semaphore, #tpu.memory_space<semaphore_mem>> -> memref<1x!tpu.dma_semaphore, #tpu.memory_space<semaphore_mem>>
      %dma_wait3A_423 = tpu.memref_squeeze %dma_wait3A_422 : memref<1x!tpu.dma_semaphore, #tpu.memory_space<semaphore_mem>> -> memref<!tpu.dma_semaphore, #tpu.memory_space<semaphore_mem>>
      tpu.wait_indirect_dma semaphore(%dma_wait3A_423 : memref<!tpu.dma_semaphore, #tpu.memory_space<semaphore_mem>>) src(%dma_wait3A_421 : memref<200x128xf32, #tpu.memory_space<vmem_shared>>) dst(%dma_wait3A_417 : memref<128x128xf32, #tpu.memory_space<vmem>>)
      %add3A_424 = arith.constant 3 : i32
      %add3A_425 = arith.addi %mul3A_198, %add3A_424 : i32
      %mul3A_426 = arith.constant 128 : i32
      %mul3A_427 = arith.muli %add3A_425, %mul3A_426 : i32
      %add3A_428 = arith.addi %mul3A_2, %mul3A_427 : i32
      %dma_start3A_429 = arith.constant 3 : i32
      %dma_start3A_430 = arith.constant 3 : i32
      %dma_start3A_431 = arith.constant 0 : i32
      %dma_start3A_432 = arith.constant 0 : i32
      %dma_start3A_433 = tpu.memref_slice %arg12[%dma_start3A_429, %dma_start3A_431, %dma_start3A_432] : memref<5x128x128xf32, #tpu.memory_space<vmem>> -> memref<1x128x128xf32, #tpu.memory_space<vmem>>
      %dma_start3A_434 = tpu.memref_squeeze %dma_start3A_433 : memref<1x128x128xf32, #tpu.memory_space<vmem>> -> memref<128x128xf32, #tpu.memory_space<vmem>>
      %dma_start3A_435 = arith.constant 0 : i32
      %dma_start3A_436 = tpu.memref_slice %arg8[%add3A_428, %dma_start3A_435] : memref<102400x128xf32, #tpu.memory_space<hbm>> -> memref<128x128xf32, #tpu.memory_space<hbm>>
      %dma_start3A_437 = tpu.memref_slice %arg18[%dma_start3A_430] : memref<5x!tpu.dma_semaphore, #tpu.memory_space<semaphore_mem>> -> memref<1x!tpu.dma_semaphore, #tpu.memory_space<semaphore_mem>>
      %dma_start3A_438 = tpu.memref_squeeze %dma_start3A_437 : memref<1x!tpu.dma_semaphore, #tpu.memory_space<semaphore_mem>> -> memref<!tpu.dma_semaphore, #tpu.memory_space<semaphore_mem>>
      %dma_start3A_439 = arith.constant 0 : i32
      %dma_start3A_440 = tpu.memref_slice %arg8[%add3A_428, %dma_start3A_439] : memref<102400x128xf32, #tpu.memory_space<hbm>> -> memref<128x128xf32, #tpu.memory_space<hbm>>
      %dma_start3A_441 = arith.constant 0 : i32
      %dma_start3A_442 = arith.constant 0 : i32
      %dma_start3A_443 = tpu.memref_slice %arg12[%dma_start3A_429, %dma_start3A_441, %dma_start3A_442] : memref<5x128x128xf32, #tpu.memory_space<vmem>> -> memref<1x128x128xf32, #tpu.memory_space<vmem>>
      %dma_start3A_444 = tpu.memref_squeeze %dma_start3A_443 : memref<1x128x128xf32, #tpu.memory_space<vmem>> -> memref<128x128xf32, #tpu.memory_space<vmem>>
      tpu.enqueue_dma source(%dma_start3A_444 : memref<128x128xf32, #tpu.memory_space<vmem>>) target(%dma_start3A_440 : memref<128x128xf32, #tpu.memory_space<hbm>>) target_semaphore(%dma_start3A_438 : memref<!tpu.dma_semaphore, #tpu.memory_space<semaphore_mem>>)
      %dma_wait3A_445 = arith.constant 4 : i32
      %dma_wait3A_446 = arith.constant 4 : i32
      %dma_wait3A_447 = arith.constant 0 : i32
      %dma_wait3A_448 = arith.constant 0 : i32
      %dma_wait3A_449 = tpu.memref_slice %arg12[%dma_wait3A_445, %dma_wait3A_447, %dma_wait3A_448] : memref<5x128x128xf32, #tpu.memory_space<vmem>> -> memref<1x128x128xf32, #tpu.memory_space<vmem>>
      %dma_wait3A_450 = tpu.memref_squeeze %dma_wait3A_449 : memref<1x128x128xf32, #tpu.memory_space<vmem>> -> memref<128x128xf32, #tpu.memory_space<vmem>>
      %dma_wait3A_451 = tpu.memref_slice %arg11[%add3A_300] : memref<6400xi32, #tpu.memory_space<vmem>> -> memref<128xi32, #tpu.memory_space<vmem>>
      %dma_wait3A_452 = arith.constant 0 : i32
      %dma_wait3A_453 = arith.constant 0 : i32
      %dma_wait3A_454 = tpu.memref_slice %arg20[%dma_wait3A_452, %dma_wait3A_453] : memref<200x128xf32, #tpu.memory_space<vmem_shared>> -> memref<200x128xf32, #tpu.memory_space<vmem_shared>>
      %dma_wait3A_455 = tpu.memref_slice %arg17[%dma_wait3A_446] : memref<5x!tpu.dma_semaphore, #tpu.memory_space<semaphore_mem>> -> memref<1x!tpu.dma_semaphore, #tpu.memory_space<semaphore_mem>>
      %dma_wait3A_456 = tpu.memref_squeeze %dma_wait3A_455 : memref<1x!tpu.dma_semaphore, #tpu.memory_space<semaphore_mem>> -> memref<!tpu.dma_semaphore, #tpu.memory_space<semaphore_mem>>
      tpu.wait_indirect_dma semaphore(%dma_wait3A_456 : memref<!tpu.dma_semaphore, #tpu.memory_space<semaphore_mem>>) src(%dma_wait3A_454 : memref<200x128xf32, #tpu.memory_space<vmem_shared>>) dst(%dma_wait3A_450 : memref<128x128xf32, #tpu.memory_space<vmem>>)
      %add3A_457 = arith.constant 4 : i32
      %add3A_458 = arith.addi %mul3A_198, %add3A_457 : i32
      %mul3A_459 = arith.constant 128 : i32
      %mul3A_460 = arith.muli %add3A_458, %mul3A_459 : i32
      %add3A_461 = arith.addi %mul3A_2, %mul3A_460 : i32
      %dma_start3A_462 = arith.constant 4 : i32
      %dma_start3A_463 = arith.constant 4 : i32
      %dma_start3A_464 = arith.constant 0 : i32
      %dma_start3A_465 = arith.constant 0 : i32
      %dma_start3A_466 = tpu.memref_slice %arg12[%dma_start3A_462, %dma_start3A_464, %dma_start3A_465] : memref<5x128x128xf32, #tpu.memory_space<vmem>> -> memref<1x128x128xf32, #tpu.memory_space<vmem>>
      %dma_start3A_467 = tpu.memref_squeeze %dma_start3A_466 : memref<1x128x128xf32, #tpu.memory_space<vmem>> -> memref<128x128xf32, #tpu.memory_space<vmem>>
      %dma_start3A_468 = arith.constant 0 : i32
      %dma_start3A_469 = tpu.memref_slice %arg8[%add3A_461, %dma_start3A_468] : memref<102400x128xf32, #tpu.memory_space<hbm>> -> memref<128x128xf32, #tpu.memory_space<hbm>>
      %dma_start3A_470 = tpu.memref_slice %arg18[%dma_start3A_463] : memref<5x!tpu.dma_semaphore, #tpu.memory_space<semaphore_mem>> -> memref<1x!tpu.dma_semaphore, #tpu.memory_space<semaphore_mem>>
      %dma_start3A_471 = tpu.memref_squeeze %dma_start3A_470 : memref<1x!tpu.dma_semaphore, #tpu.memory_space<semaphore_mem>> -> memref<!tpu.dma_semaphore, #tpu.memory_space<semaphore_mem>>
      %dma_start3A_472 = arith.constant 0 : i32
      %dma_start3A_473 = tpu.memref_slice %arg8[%add3A_461, %dma_start3A_472] : memref<102400x128xf32, #tpu.memory_space<hbm>> -> memref<128x128xf32, #tpu.memory_space<hbm>>
      %dma_start3A_474 = arith.constant 0 : i32
      %dma_start3A_475 = arith.constant 0 : i32
      %dma_start3A_476 = tpu.memref_slice %arg12[%dma_start3A_462, %dma_start3A_474, %dma_start3A_475] : memref<5x128x128xf32, #tpu.memory_space<vmem>> -> memref<1x128x128xf32, #tpu.memory_space<vmem>>
      %dma_start3A_477 = tpu.memref_squeeze %dma_start3A_476 : memref<1x128x128xf32, #tpu.memory_space<vmem>> -> memref<128x128xf32, #tpu.memory_space<vmem>>
      tpu.enqueue_dma source(%dma_start3A_477 : memref<128x128xf32, #tpu.memory_space<vmem>>) target(%dma_start3A_473 : memref<128x128xf32, #tpu.memory_space<hbm>>) target_semaphore(%dma_start3A_471 : memref<!tpu.dma_semaphore, #tpu.memory_space<semaphore_mem>>)
    }
    %scan3A_105 = arith.constant 5 : i32
    %dma_wait3A_106 = arith.constant 0 : i32
    %dma_wait3A_107 = arith.constant 0 : i32
    %dma_wait3A_108 = arith.constant 0 : i32
    %dma_wait3A_109 = arith.constant 0 : i32
    %dma_wait3A_110 = tpu.memref_slice %arg12[%dma_wait3A_106, %dma_wait3A_108, %dma_wait3A_109] : memref<5x128x128xf32, #tpu.memory_space<vmem>> -> memref<1x128x128xf32, #tpu.memory_space<vmem>>
    %dma_wait3A_111 = tpu.memref_squeeze %dma_wait3A_110 : memref<1x128x128xf32, #tpu.memory_space<vmem>> -> memref<128x128xf32, #tpu.memory_space<vmem>>
    %dma_wait3A_112 = arith.constant 0 : i32
    %dma_wait3A_113 = tpu.memref_slice %arg8[%mul3A_2, %dma_wait3A_112] : memref<102400x128xf32, #tpu.memory_space<hbm>> -> memref<128x128xf32, #tpu.memory_space<hbm>>
    %dma_wait3A_114 = tpu.memref_slice %arg18[%dma_wait3A_107] : memref<5x!tpu.dma_semaphore, #tpu.memory_space<semaphore_mem>> -> memref<1x!tpu.dma_semaphore, #tpu.memory_space<semaphore_mem>>
    %dma_wait3A_115 = tpu.memref_squeeze %dma_wait3A_114 : memref<1x!tpu.dma_semaphore, #tpu.memory_space<semaphore_mem>> -> memref<!tpu.dma_semaphore, #tpu.memory_space<semaphore_mem>>
    %dma_wait3A_116 = arith.constant 0 : i32
    %dma_wait3A_117 = tpu.memref_slice %arg8[%mul3A_2, %dma_wait3A_116] : memref<102400x128xf32, #tpu.memory_space<hbm>> -> memref<128x128xf32, #tpu.memory_space<hbm>>
    %dma_wait3A_118 = arith.constant 0 : i32
    %dma_wait3A_119 = arith.constant 0 : i32
    %dma_wait3A_120 = tpu.memref_slice %arg12[%dma_wait3A_106, %dma_wait3A_118, %dma_wait3A_119] : memref<5x128x128xf32, #tpu.memory_space<vmem>> -> memref<1x128x128xf32, #tpu.memory_space<vmem>>
    %dma_wait3A_121 = tpu.memref_squeeze %dma_wait3A_120 : memref<1x128x128xf32, #tpu.memory_space<vmem>> -> memref<128x128xf32, #tpu.memory_space<vmem>>
    tpu.wait_dma2 semaphore(%dma_wait3A_115 : memref<!tpu.dma_semaphore, #tpu.memory_space<semaphore_mem>>) src(%dma_wait3A_121 : memref<128x128xf32, #tpu.memory_space<vmem>>) dst(%dma_wait3A_117 : memref<128x128xf32, #tpu.memory_space<hbm>>)
    %dma_wait3A_122 = arith.constant 1 : i32
    %dma_wait3A_123 = arith.constant 1 : i32
    %dma_wait3A_124 = arith.constant 0 : i32
    %dma_wait3A_125 = arith.constant 0 : i32
    %dma_wait3A_126 = tpu.memref_slice %arg12[%dma_wait3A_122, %dma_wait3A_124, %dma_wait3A_125] : memref<5x128x128xf32, #tpu.memory_space<vmem>> -> memref<1x128x128xf32, #tpu.memory_space<vmem>>
    %dma_wait3A_127 = tpu.memref_squeeze %dma_wait3A_126 : memref<1x128x128xf32, #tpu.memory_space<vmem>> -> memref<128x128xf32, #tpu.memory_space<vmem>>
    %dma_wait3A_128 = arith.constant 0 : i32
    %dma_wait3A_129 = tpu.memref_slice %arg8[%mul3A_2, %dma_wait3A_128] : memref<102400x128xf32, #tpu.memory_space<hbm>> -> memref<128x128xf32, #tpu.memory_space<hbm>>
    %dma_wait3A_130 = tpu.memref_slice %arg18[%dma_wait3A_123] : memref<5x!tpu.dma_semaphore, #tpu.memory_space<semaphore_mem>> -> memref<1x!tpu.dma_semaphore, #tpu.memory_space<semaphore_mem>>
    %dma_wait3A_131 = tpu.memref_squeeze %dma_wait3A_130 : memref<1x!tpu.dma_semaphore, #tpu.memory_space<semaphore_mem>> -> memref<!tpu.dma_semaphore, #tpu.memory_space<semaphore_mem>>
    %dma_wait3A_132 = arith.constant 0 : i32
    %dma_wait3A_133 = tpu.memref_slice %arg8[%mul3A_2, %dma_wait3A_132] : memref<102400x128xf32, #tpu.memory_space<hbm>> -> memref<128x128xf32, #tpu.memory_space<hbm>>
    %dma_wait3A_134 = arith.constant 0 : i32
    %dma_wait3A_135 = arith.constant 0 : i32
    %dma_wait3A_136 = tpu.memref_slice %arg12[%dma_wait3A_122, %dma_wait3A_134, %dma_wait3A_135] : memref<5x128x128xf32, #tpu.memory_space<vmem>> -> memref<1x128x128xf32, #tpu.memory_space<vmem>>
    %dma_wait3A_137 = tpu.memref_squeeze %dma_wait3A_136 : memref<1x128x128xf32, #tpu.memory_space<vmem>> -> memref<128x128xf32, #tpu.memory_space<vmem>>
    tpu.wait_dma2 semaphore(%dma_wait3A_131 : memref<!tpu.dma_semaphore, #tpu.memory_space<semaphore_mem>>) src(%dma_wait3A_137 : memref<128x128xf32, #tpu.memory_space<vmem>>) dst(%dma_wait3A_133 : memref<128x128xf32, #tpu.memory_space<hbm>>)
    %dma_wait3A_138 = arith.constant 2 : i32
    %dma_wait3A_139 = arith.constant 2 : i32
    %dma_wait3A_140 = arith.constant 0 : i32
    %dma_wait3A_141 = arith.constant 0 : i32
    %dma_wait3A_142 = tpu.memref_slice %arg12[%dma_wait3A_138, %dma_wait3A_140, %dma_wait3A_141] : memref<5x128x128xf32, #tpu.memory_space<vmem>> -> memref<1x128x128xf32, #tpu.memory_space<vmem>>
    %dma_wait3A_143 = tpu.memref_squeeze %dma_wait3A_142 : memref<1x128x128xf32, #tpu.memory_space<vmem>> -> memref<128x128xf32, #tpu.memory_space<vmem>>
    %dma_wait3A_144 = arith.constant 0 : i32
    %dma_wait3A_145 = tpu.memref_slice %arg8[%mul3A_2, %dma_wait3A_144] : memref<102400x128xf32, #tpu.memory_space<hbm>> -> memref<128x128xf32, #tpu.memory_space<hbm>>
    %dma_wait3A_146 = tpu.memref_slice %arg18[%dma_wait3A_139] : memref<5x!tpu.dma_semaphore, #tpu.memory_space<semaphore_mem>> -> memref<1x!tpu.dma_semaphore, #tpu.memory_space<semaphore_mem>>
    %dma_wait3A_147 = tpu.memref_squeeze %dma_wait3A_146 : memref<1x!tpu.dma_semaphore, #tpu.memory_space<semaphore_mem>> -> memref<!tpu.dma_semaphore, #tpu.memory_space<semaphore_mem>>
    %dma_wait3A_148 = arith.constant 0 : i32
    %dma_wait3A_149 = tpu.memref_slice %arg8[%mul3A_2, %dma_wait3A_148] : memref<102400x128xf32, #tpu.memory_space<hbm>> -> memref<128x128xf32, #tpu.memory_space<hbm>>
    %dma_wait3A_150 = arith.constant 0 : i32
    %dma_wait3A_151 = arith.constant 0 : i32
    %dma_wait3A_152 = tpu.memref_slice %arg12[%dma_wait3A_138, %dma_wait3A_150, %dma_wait3A_151] : memref<5x128x128xf32, #tpu.memory_space<vmem>> -> memref<1x128x128xf32, #tpu.memory_space<vmem>>
    %dma_wait3A_153 = tpu.memref_squeeze %dma_wait3A_152 : memref<1x128x128xf32, #tpu.memory_space<vmem>> -> memref<128x128xf32, #tpu.memory_space<vmem>>
    tpu.wait_dma2 semaphore(%dma_wait3A_147 : memref<!tpu.dma_semaphore, #tpu.memory_space<semaphore_mem>>) src(%dma_wait3A_153 : memref<128x128xf32, #tpu.memory_space<vmem>>) dst(%dma_wait3A_149 : memref<128x128xf32, #tpu.memory_space<hbm>>)
    %dma_wait3A_154 = arith.constant 3 : i32
    %dma_wait3A_155 = arith.constant 3 : i32
    %dma_wait3A_156 = arith.constant 0 : i32
    %dma_wait3A_157 = arith.constant 0 : i32
    %dma_wait3A_158 = tpu.memref_slice %arg12[%dma_wait3A_154, %dma_wait3A_156, %dma_wait3A_157] : memref<5x128x128xf32, #tpu.memory_space<vmem>> -> memref<1x128x128xf32, #tpu.memory_space<vmem>>
    %dma_wait3A_159 = tpu.memref_squeeze %dma_wait3A_158 : memref<1x128x128xf32, #tpu.memory_space<vmem>> -> memref<128x128xf32, #tpu.memory_space<vmem>>
    %dma_wait3A_160 = arith.constant 0 : i32
    %dma_wait3A_161 = tpu.memref_slice %arg8[%mul3A_2, %dma_wait3A_160] : memref<102400x128xf32, #tpu.memory_space<hbm>> -> memref<128x128xf32, #tpu.memory_space<hbm>>
    %dma_wait3A_162 = tpu.memref_slice %arg18[%dma_wait3A_155] : memref<5x!tpu.dma_semaphore, #tpu.memory_space<semaphore_mem>> -> memref<1x!tpu.dma_semaphore, #tpu.memory_space<semaphore_mem>>
    %dma_wait3A_163 = tpu.memref_squeeze %dma_wait3A_162 : memref<1x!tpu.dma_semaphore, #tpu.memory_space<semaphore_mem>> -> memref<!tpu.dma_semaphore, #tpu.memory_space<semaphore_mem>>
    %dma_wait3A_164 = arith.constant 0 : i32
    %dma_wait3A_165 = tpu.memref_slice %arg8[%mul3A_2, %dma_wait3A_164] : memref<102400x128xf32, #tpu.memory_space<hbm>> -> memref<128x128xf32, #tpu.memory_space<hbm>>
    %dma_wait3A_166 = arith.constant 0 : i32
    %dma_wait3A_167 = arith.constant 0 : i32
    %dma_wait3A_168 = tpu.memref_slice %arg12[%dma_wait3A_154, %dma_wait3A_166, %dma_wait3A_167] : memref<5x128x128xf32, #tpu.memory_space<vmem>> -> memref<1x128x128xf32, #tpu.memory_space<vmem>>
    %dma_wait3A_169 = tpu.memref_squeeze %dma_wait3A_168 : memref<1x128x128xf32, #tpu.memory_space<vmem>> -> memref<128x128xf32, #tpu.memory_space<vmem>>
    tpu.wait_dma2 semaphore(%dma_wait3A_163 : memref<!tpu.dma_semaphore, #tpu.memory_space<semaphore_mem>>) src(%dma_wait3A_169 : memref<128x128xf32, #tpu.memory_space<vmem>>) dst(%dma_wait3A_165 : memref<128x128xf32, #tpu.memory_space<hbm>>)
    %dma_wait3A_170 = arith.constant 4 : i32
    %dma_wait3A_171 = arith.constant 4 : i32
    %dma_wait3A_172 = arith.constant 0 : i32
    %dma_wait3A_173 = arith.constant 0 : i32
    %dma_wait3A_174 = tpu.memref_slice %arg12[%dma_wait3A_170, %dma_wait3A_172, %dma_wait3A_173] : memref<5x128x128xf32, #tpu.memory_space<vmem>> -> memref<1x128x128xf32, #tpu.memory_space<vmem>>
    %dma_wait3A_175 = tpu.memref_squeeze %dma_wait3A_174 : memref<1x128x128xf32, #tpu.memory_space<vmem>> -> memref<128x128xf32, #tpu.memory_space<vmem>>
    %dma_wait3A_176 = arith.constant 0 : i32
    %dma_wait3A_177 = tpu.memref_slice %arg8[%mul3A_2, %dma_wait3A_176] : memref<102400x128xf32, #tpu.memory_space<hbm>> -> memref<128x128xf32, #tpu.memory_space<hbm>>
    %dma_wait3A_178 = tpu.memref_slice %arg18[%dma_wait3A_171] : memref<5x!tpu.dma_semaphore, #tpu.memory_space<semaphore_mem>> -> memref<1x!tpu.dma_semaphore, #tpu.memory_space<semaphore_mem>>
    %dma_wait3A_179 = tpu.memref_squeeze %dma_wait3A_178 : memref<1x!tpu.dma_semaphore, #tpu.memory_space<semaphore_mem>> -> memref<!tpu.dma_semaphore, #tpu.memory_space<semaphore_mem>>
    %dma_wait3A_180 = arith.constant 0 : i32
    %dma_wait3A_181 = tpu.memref_slice %arg8[%mul3A_2, %dma_wait3A_180] : memref<102400x128xf32, #tpu.memory_space<hbm>> -> memref<128x128xf32, #tpu.memory_space<hbm>>
    %dma_wait3A_182 = arith.constant 0 : i32
    %dma_wait3A_183 = arith.constant 0 : i32
    %dma_wait3A_184 = tpu.memref_slice %arg12[%dma_wait3A_170, %dma_wait3A_182, %dma_wait3A_183] : memref<5x128x128xf32, #tpu.memory_space<vmem>> -> memref<1x128x128xf32, #tpu.memory_space<vmem>>
    %dma_wait3A_185 = tpu.memref_squeeze %dma_wait3A_184 : memref<1x128x128xf32, #tpu.memory_space<vmem>> -> memref<128x128xf32, #tpu.memory_space<vmem>>
    tpu.wait_dma2 semaphore(%dma_wait3A_179 : memref<!tpu.dma_semaphore, #tpu.memory_space<semaphore_mem>>) src(%dma_wait3A_185 : memref<128x128xf32, #tpu.memory_space<vmem>>) dst(%dma_wait3A_181 : memref<128x128xf32, #tpu.memory_space<hbm>>)
    %dma_wait3A_186 = arith.constant 0 : i32
    %dma_wait3A_187 = arith.constant 0 : i32
    %dma_wait3A_188 = tpu.memref_slice %arg5[%dma_wait3A_186, %dma_wait3A_187] : memref<200x128xf32, #tpu.memory_space<hbm>> -> memref<200x128xf32, #tpu.memory_space<hbm>>
    tpu.wait_indirect_dma semaphore(%arg19 : memref<!tpu.dma_semaphore, #tpu.memory_space<semaphore_mem>>) src(%dma_wait3A_188 : memref<200x128xf32, #tpu.memory_space<hbm>>) dst(%arg15 : memref<32x128xf32, #tpu.memory_space<vmem>>)
    %dma_wait3A_189 = arith.constant 0 : i32
    %dma_wait3A_190 = arith.constant 0 : i32
    %dma_wait3A_191 = tpu.memref_slice %arg6[%dma_wait3A_189, %dma_wait3A_190] : memref<256x128xf32, #tpu.memory_space<hbm>> -> memref<256x128xf32, #tpu.memory_space<hbm>>
    tpu.wait_indirect_dma semaphore(%arg19 : memref<!tpu.dma_semaphore, #tpu.memory_space<semaphore_mem>>) src(%dma_wait3A_191 : memref<256x128xf32, #tpu.memory_space<hbm>>) dst(%arg16 : memref<32x128xf32, #tpu.memory_space<vmem>>)
    %mul3A_192 = arith.constant 32 : i32
    %mul3A_193 = arith.muli %add3A, %mul3A_192 : i32
    "tpu.region"() ({
      %run_scoped3A = tpu.sem_alloc : memref<!tpu.dma_semaphore, #tpu.memory_space<semaphore_mem>>
      %dma_start3A_196 = arith.constant 0 : i32
      %dma_start3A_197 = tpu.memref_slice %arg9[%mul3A_193, %dma_start3A_196] : memref<1024x128xf32, #tpu.memory_space<hbm>> -> memref<32x128xf32, #tpu.memory_space<hbm>>
      %dma_start3A_198 = arith.constant 0 : i32
      %dma_start3A_199 = tpu.memref_slice %arg9[%mul3A_193, %dma_start3A_198] : memref<1024x128xf32, #tpu.memory_space<hbm>> -> memref<32x128xf32, #tpu.memory_space<hbm>>
      tpu.enqueue_dma source(%arg15 : memref<32x128xf32, #tpu.memory_space<vmem>>) target(%dma_start3A_199 : memref<32x128xf32, #tpu.memory_space<hbm>>) target_semaphore(%run_scoped3A : memref<!tpu.dma_semaphore, #tpu.memory_space<semaphore_mem>>)
      %dma_wait3A_200 = arith.constant 0 : i32
      %dma_wait3A_201 = tpu.memref_slice %arg9[%mul3A_193, %dma_wait3A_200] : memref<1024x128xf32, #tpu.memory_space<hbm>> -> memref<32x128xf32, #tpu.memory_space<hbm>>
      %dma_wait3A_202 = arith.constant 0 : i32
      %dma_wait3A_203 = tpu.memref_slice %arg9[%mul3A_193, %dma_wait3A_202] : memref<1024x128xf32, #tpu.memory_space<hbm>> -> memref<32x128xf32, #tpu.memory_space<hbm>>
      tpu.wait_dma2 semaphore(%run_scoped3A : memref<!tpu.dma_semaphore, #tpu.memory_space<semaphore_mem>>) src(%arg15 : memref<32x128xf32, #tpu.memory_space<vmem>>) dst(%dma_wait3A_203 : memref<32x128xf32, #tpu.memory_space<hbm>>)
      tpu.yield
    }) : () -> ()
    %mul3A_194 = arith.constant 32 : i32
    %mul3A_195 = arith.muli %add3A, %mul3A_194 : i32
    "tpu.region"() ({
      %run_scoped3A = tpu.sem_alloc : memref<!tpu.dma_semaphore, #tpu.memory_space<semaphore_mem>>
      %dma_start3A_196 = arith.constant 0 : i32
      %dma_start3A_197 = tpu.memref_slice %arg10[%mul3A_195, %dma_start3A_196] : memref<1024x128xf32, #tpu.memory_space<hbm>> -> memref<32x128xf32, #tpu.memory_space<hbm>>
      %dma_start3A_198 = arith.constant 0 : i32
      %dma_start3A_199 = tpu.memref_slice %arg10[%mul3A_195, %dma_start3A_198] : memref<1024x128xf32, #tpu.memory_space<hbm>> -> memref<32x128xf32, #tpu.memory_space<hbm>>
      tpu.enqueue_dma source(%arg16 : memref<32x128xf32, #tpu.memory_space<vmem>>) target(%dma_start3A_199 : memref<32x128xf32, #tpu.memory_space<hbm>>) target_semaphore(%run_scoped3A : memref<!tpu.dma_semaphore, #tpu.memory_space<semaphore_mem>>)
      %dma_wait3A_200 = arith.constant 0 : i32
      %dma_wait3A_201 = tpu.memref_slice %arg10[%mul3A_195, %dma_wait3A_200] : memref<1024x128xf32, #tpu.memory_space<hbm>> -> memref<32x128xf32, #tpu.memory_space<hbm>>
      %dma_wait3A_202 = arith.constant 0 : i32
      %dma_wait3A_203 = tpu.memref_slice %arg10[%mul3A_195, %dma_wait3A_202] : memref<1024x128xf32, #tpu.memory_space<hbm>> -> memref<32x128xf32, #tpu.memory_space<hbm>>
      tpu.wait_dma2 semaphore(%run_scoped3A : memref<!tpu.dma_semaphore, #tpu.memory_space<semaphore_mem>>) src(%arg16 : memref<32x128xf32, #tpu.memory_space<vmem>>) dst(%dma_wait3A_203 : memref<32x128xf32, #tpu.memory_space<hbm>>)
      tpu.yield
    }) : () -> ()
    return
  }
}

</mosaic_0001>

<sc_bundles>
// kernel: kernel.3.cloned.1.call-start
scs
__scs_entry_jumppad:
0x0: {  	(pc) =	sbr.rel $0x88, $3  }
0x1: {  	(tag) =	ssettag $0x0;
	lr =	simm.s32 $0x1  }
0x2: {  	[smem:$0x3F9C] =	sst lr;
	_ =	strace $0xD0000000  }
0x3: {  	_ = 	snop  }
0x4: {  	_ = 	snop  }
0x5: {  	_ = 	snop  }
0x6: {  	_ = 	snop  }
0x7: {  	_ = 	snop  }
__scs_overlays_trampoline_lowered:
0x8: {  	[smem:$0x3FAB] =	sst s0  }
0x9: {  	[smem:$0x3FAC] =	sst s1  }
0xa: {  	[smem:$0x3FAD] =	sst s2  }
0xb: {  	[smem:$0x3FAE] =	sst s3  }
0xc: {  	[smem:$0x3FAF] =	sst s4  }
0xd: {  	[smem:$0x3FB0] =	sst s5  }
0xe: {  	[smem:$0x3FB1] =	sst s6  }
0xf: {  	[smem:$0x3FB2] =	sst s7  }
0x10: {  	[smem:$0x3FB3] =	sst s8  }
0x11: {  	[smem:$0x3FB4] =	sst s9;
	s0 =	simm.s32 @!p0 $0x0  }
0x12: {  	s1 =	sld [smem:$0x3F9A];
	s0 =	simm.s32 @p0 $0x1  }
0x13: {  	[smem:$0x3FB5] =	sst s0;
	s0 =	simm.s32 @!p1 $0x0  }
0x14: {  	s2 =	sld [smem:$0x3F99];
	s0 =	simm.s32 @p1 $0x1  }
0x15: {  	[smem:$0x3FB6] =	sst s0;
	s0 =	simm.s32 @!p2 $0x0  }
0x16: {  	s3 =	sld [smem:$0x3FDB];
	s0 =	simm.s32 @p2 $0x1  }
0x17: {  	s4 =	simm.s32 $0x1BF5;
	[smem:$0x3FB8] =	sst s0  }
0x18: {  	s0 =	sld [smem:$0x3F9B];
	_ =	swait.ge [sflag:s4], $0x0  }
0x19: {  	s7 =	sld [smem:$0x3F9C]  }
0x1a: {  	s8 =	sadd.s32 $0xFFFFE003, lr  }
0x1b: {  	s9 =	sadd.s32 $0xFFFFFEF7, lr;
	s5 =	simm.s32 $0xFFFFFFFF;
	p2 =	slt.u32 s8, $0xFFFFF086  }
0x1c: {  	p1 =	slt.u32 s9, $0xF7A;
	s5 =	simm.s32 @!p2 $0x0  }
0x1d: {  	s5 =	simm.s32 @p1 $0x1;
	p0 =	seq.s32 s7, s2  }
0x1e: {  	s7 =	smul.u32 @!p0 $0xF7A, s2;
	p2 =	seq.s32 @!p0 s5, $0x0  }
0x1f: {  	s9 =	smul.u32 $0xF7A, s1;
	s8 =	simm.s32 @!p0 $0x1BF5;
	p2 =	por !p2, p0  }
0x20: {  	[sflag:s8] =	ssyncset.s32 @!p0 $0xFFFFF086;
	s6 =	sadd.s32 @!p0 s3, s7;
	s7 =	simm.s32 @!p0 $0x108  }
0x21: {  	s3 =	sadd.s32 s3, s9;
	s6 =	sadd.s32 @!p0 $0x88, s6;
	s7 =	simm.s32 @p2 $0x1082  }
0x22: {  	[simem:s7], [sflag:s8] =	dma.local @!p0 [hbm:s6], $0xF7A  }
0x23: {  	s9 =	sor.u32 $0xD0000000, s2;
	s6 =	simm.s32 $0x108;
	_ =	swait.ge @!p0 [sflag:s8], $0x0  }
0x24: {  	s3 =	sadd.s32 $0x88, s3;
	s6 =	simm.s32 @!p1 $0x1082;
	[sflag:s4] =	ssyncset.s32 $0xFFFFF086  }
0x25: {  	[simem:s6], [sflag:s4] =	dma.local [hbm:s3], $0xF7A  }
0x26: {  	[smem:$0x3F9C] =	sst s1;
	(tag) =	ssettag s2;
	_ =	strace s9  }
0x27: {  	s1 =	sld [smem:$0x3FAC]  }
0x28: {  	s2 =	sld [smem:$0x3FAD]  }
0x29: {  	s4 =	sld [smem:$0x3FAF]  }
0x2a: {  	p0 =	seq.s32 s5, $0x0;
	s5 =	sld [smem:$0x3FB0]  }
0x2b: {  	s6 =	sld [smem:$0x3FB1]  }
0x2c: {  	s7 =	sld [smem:$0x3FB2]  }
0x2d: {  	s3 =	simm.s32 $0x108;
	s8 =	sld [smem:$0x3FB3]  }
0x2e: {  	s3 =	simm.s32 @!p0 $0x1082;
	s9 =	sld [smem:$0x3FB4]  }
0x2f: {  	lr =	sadd.s32 s0, s3;
	s0 =	sld [smem:$0x3FAB]  }
0x30: {  	s3 =	sld [smem:$0x3FAE]  }
0x31: {  	[smem:$0x3FB7] =	sst s10  }
0x32: {  	s10 =	sld [smem:$0x3FB5];
	_ =	sdelay $0x3  }
0x33: {  	p0 =	seq.s32 s10, $0x1;
	s10 =	sld [smem:$0x3FB7];
	_ =	sdelay $0x3  }
0x34: {  	[smem:$0x3FB7] =	sst s10  }
0x35: {  	s10 =	sld [smem:$0x3FB6];
	_ =	sdelay $0x3  }
0x36: {  	p1 =	seq.s32 s10, $0x1;
	s10 =	sld [smem:$0x3FB7];
	_ =	sdelay $0x3  }
0x37: {  	[smem:$0x3FB7] =	sst s10  }
0x38: {  	s10 =	sld [smem:$0x3FB8]  }
0x39: {  	_ = 	snop;
	(pc) =	sbr.ind lr, $3  }
0x3a: {  	_ = 	snop  }
0x3b: {  	_ = 	snop  }
0x3c: {  	p2 =	seq.s32 s10, $0x1;
	s10 =	sld [smem:$0x3FB7]  }
0x3d: {  	_ =	shalt  }
0x3e: {  	_ =	shalt  }
0x3f: {  	_ =	shalt  }
0x40: {  	_ =	shalt  }
0x41: {  	_ =	shalt  }
0x42: {  	_ =	shalt  }
0x43: {  	_ =	shalt  }
0x44: {  	_ =	shalt  }
0x45: {  	_ =	shalt  }
0x46: {  	_ =	shalt  }
0x47: {  	_ =	shalt  }
0x48: {  	_ =	shalt  }
0x49: {  	_ =	shalt  }
0x4a: {  	_ =	shalt  }
0x4b: {  	_ =	shalt  }
0x4c: {  	_ =	shalt  }
0x4d: {  	_ =	shalt  }
0x4e: {  	_ =	shalt  }
0x4f: {  	_ =	shalt  }
0x50: {  	_ =	shalt  }
0x51: {  	_ =	shalt  }
0x52: {  	_ =	shalt  }
0x53: {  	_ =	shalt  }
0x54: {  	_ =	shalt  }
0x55: {  	_ =	shalt  }
0x56: {  	_ =	shalt  }
0x57: {  	_ =	shalt  }
0x58: {  	_ =	shalt  }
0x59: {  	_ =	shalt  }
0x5a: {  	_ =	shalt  }
0x5b: {  	_ =	shalt  }
0x5c: {  	_ =	shalt  }
0x5d: {  	_ =	shalt  }
0x5e: {  	_ =	shalt  }
0x5f: {  	_ =	shalt  }
0x60: {  	_ =	shalt  }
0x61: {  	_ =	shalt  }
0x62: {  	_ =	shalt  }
0x63: {  	_ =	shalt  }
0x64: {  	_ =	shalt  }
0x65: {  	_ =	shalt  }
0x66: {  	_ =	shalt  }
0x67: {  	_ =	shalt  }
0x68: {  	_ =	shalt  }
0x69: {  	_ =	shalt  }
0x6a: {  	_ =	shalt  }
0x6b: {  	_ =	shalt  }
0x6c: {  	_ =	shalt  }
0x6d: {  	_ =	shalt  }
0x6e: {  	_ =	shalt  }
0x6f: {  	_ =	shalt  }
0x70: {  	_ =	shalt  }
0x71: {  	_ =	shalt  }
0x72: {  	_ =	shalt  }
0x73: {  	_ =	shalt  }
0x74: {  	_ =	shalt  }
0x75: {  	_ =	shalt  }
0x76: {  	_ =	shalt  }
0x77: {  	_ =	shalt  }
0x78: {  	_ =	shalt  }
0x79: {  	_ =	shalt  }
0x7a: {  	_ =	shalt  }
0x7b: {  	_ =	shalt  }
0x7c: {  	_ =	shalt  }
0x7d: {  	_ =	shalt  }
0x7e: {  	_ =	shalt  }
0x7f: {  	_ =	shalt  }
0x80: {  	_ =	shalt  }
0x81: {  	_ =	shalt  }
0x82: {  	_ =	shalt  }
0x83: {  	_ =	shalt  }
0x84: {  	_ =	shalt  }
0x85: {  	_ =	shalt  }
0x86: {  	_ =	shalt  }
0x87: {  	_ =	shalt  }
.Lfunc_end0:
.L_simem_size_0:
called_computation_lowered:
.L_overlay_start_0:
0x88: {  	s2 =	sld [smem:$0x3FD9]  }
0x89: {  	s3 =	sld [smem:$0x3FFE];
	_ =	sdelay $0x1  }
0x8a: {  	s1 =	srdreg.scid  }
0x8b: {  	s0 =	sand.u32 $0x1, s1  }
0x8c: {  	s14 =	sshll.u32 s0, $0xA;
	s2 =	sadd.s32 s3, s2  }
0x8d: {  	s2 =	sadd.s32 s2, s14  }
0x8e: {  	[smem:$0x3FC3] =	sst s2  }
0x8f: {  	_ = 	snop  }
0x90: {  	s2 =	sld [smem:$0x3FC8]  }
0x91: {  	s15 =	sld [smem:$0x3FD0]  }
0x92: {  	s4 =	sld [smem:$0x3FC7]  }
0x93: {  	s5 =	sld [smem:$0x3FC6]  }
0x94: {  	s7 =	simm.s32 $0xA;
	s8 =	simm.s32 $0x10;
	s6 =	sld [smem:$0x3FC5]  }
0x95: {  	[smem:s8], [sflag:s7] =	dma.local [hbm:s15], $0x1  }
0x96: {  	_ =	swait.eq [sflag:s7], $0x1  }
0x97: {  	s16 =	sld [smem:$0x10];
	[sflag:s7] =	ssyncset.done $0x0  }
0x98: {  	s17 =	sld [smem:$0x11];
	[sflag:s7] =	ssyncadd.s32 $0xFFFFFFFF  }
0x99: {  	s18 =	sld [smem:$0x12];
	(tm) =	ssettm $0x1  }
0x9a: {  	s9 =	sld [smem:$0x3FFB];
	_ =	sdelay $0x3  }
0x9b: {  	_ =	strace s9  }
0x9c: {  	s9 =	sld [smem:$0x3FFC];
	_ =	sdelay $0x3  }
0x9d: {  	_ =	strace s9  }
0x9e: {  	s9 =	sld [smem:$0x3FFD];
	_ =	sdelay $0x3  }
0x9f: {  	_ =	strace s9  }
0xa0: {  	_ =	strace $0x8FFFFFFF  }
0xa1: {  	s19 =	sld [smem:$0x3FDB];
	_ =	sdelay $0x1  }
0xa2: {  	s10 =	simm.s32 $_scs_section_size  }
0xa3: {  	s11 =	simm.s32 $_size__tile_overlayer_lowered;
	s12 =	simm.s32 $_tile_overlayer_lowered  }
0xa4: {  	s22 =	simm.s32 $0x1BFF;
	s21 =	sshll.u32 s12, $0x1;
	s9 =	sadd.s32 s10, s19  }
0xa5: {  	s13 =	simm.s32 $0x0;
	s20 =	sshll.u32 s11, $0x1;
	s11 =	sadd.s32 s21, s9  }
0xa6: {  	[timem:s13], [sflag:s22] =	dma.local [hbm:s11], s20  }
0xa7: {  	_ =	swait.ge [sflag:s22], s20  }
0xa8: {  	s10 =	ssub.s32 $0x0, s20;
	[sflag:s22] =	ssyncset.done $0x0  }
0xa9: {  	[sflag:s22] =	ssyncadd.s32 s10;
	_ =	sdelay $0x1  }
0xaa: {  	s23 =	simm.s32 $0x1B8B  }
0xab: {  	_ =	swait.ge [sflag:s23], $0x1  }
0xac: {  	[sflag:s23] =	ssyncset.done $0x0  }
0xad: {  	s25 =	simm.s32 $0x1B8E;
	s24 =	sld [smem:$0x3FFE];
	[sflag:s23] =	ssyncadd.s32 $0xFFFFFFFF  }
0xae: {  	s26 =	simm.s32 $execute0_lowered;
	[smem:$0x3FD2] =	sst s25  }
0xaf: {  	s11 =	sshll.u32 s26, $0x1;
	_ =	strace $0x80000046;
	[dreg:$0x1] =	wrdreg $0xFFFFFFFF  }
0xb0: {  	s28 =	simm.s32 $_size_execute0_lowered;
	s9 =	sadd.s32 s9, s11;
	[dreg:$0x0] =	wrdreg $0x0  }
0xb1: {  	s11 =	sshll.u32 s28, $0x1;
	[dreg:$0x2] =	wrdreg s9  }
0xb2: {  	[dreg:$0x3] =	wrdreg s11  }
0xb3: {  	[dreg:$0x4] =	wrdreg $0xC0  }
0xb4: {  	_ =	task [dreg:s13], $0x5FFFF  }
0xb5: {  	[dreg:$0x1] =	wrdreg $0xFFFFFFFF  }
0xb6: {  	[dreg:$0x0] =	wrdreg $0x60  }
0xb7: {  	[dreg:$0x2] =	wrdreg s16  }
0xb8: {  	[dreg:$0x3] =	wrdreg s2  }
0xb9: {  	[dreg:$0x4] =	wrdreg s4  }
0xba: {  	[dreg:$0x5] =	wrdreg s5  }
0xbb: {  	[dreg:$0x6] =	wrdreg s6  }
0xbc: {  	[dreg:$0x7] =	wrdreg s24  }
0xbd: {  	[dreg:$0x8] =	wrdreg s17  }
0xbe: {  	[dreg:$0x9] =	wrdreg s18  }
0xbf: {  	[dreg:$0xa] =	wrdreg $0x17A000  }
0xc0: {  	[dreg:$0xb] =	wrdreg $0x9  }
0xc1: {  	_ =	task.clear_ibuf [dreg:s13], $0xCFFFF;
	_ =	strace $0x90000046  }
0xc2: {  	s29 =	simm.s32 $0x9;
	_ =	strace $0x80000048  }
0xc3: {  	_ =	swait.ge [sflag:s29], $0x1  }
0xc4: {  	[sflag:s29] =	ssyncadd.s32 $0xFFFFFFFF  }
0xc5: {  	_ =	strace $0x90000048  }
0xc6: {  	_ =	sfence  }
0xc7: {  	s30 =	sld [smem:$0x0];
	_ =	sdelay $0x2  }
0xc8: {  	s31 =	sshll.u32 s1, $0xD;
	s1 =	sshrl.u32 s1, $0x2  }
0xc9: {  	s3 =	sand.u32 $0x4000, s31;
	s1 =	sadd.s32 s1, s30  }
0xca: {  	s0 =	sor.u32 s3, s0;
	s1 =	sshll.u32 s1, $0x11  }
0xcb: {  	s0 =	sor.u32 s1, s0  }
0xcc: {  	s0 =	sadd.s32 $0x8F2B, s0  }
0xcd: {  	[sflag:s0] =	ssyncadd.remote.s32 $0x1  }
0xce: {  	_ =	sfence.sel $0xFFFF  }
0xcf: {  	[dreg:$0x0] =	wrdreg $0xFFFFFFFF;
	(pc) =	sbr.abs _section_cstart, $3  }
0xd0: {  	[dreg:$0x1] =	wrdreg $0xFFFFFFFF  }
0xd1: {  	_ =	task.clear_ibuf [dreg:s13], $0x2FFFF;
	_ =	strace $0x9FFFFFFF  }
0xd2: {  	(tm) =	ssettm $0x7FFFFFFF  }
0xd3: {  	_ =	shalt  }
tec
execute0_lowered:
.L_overlay_start_1:
0x0: {  	(tag) =	ssettag $0x1  }
0x1: {  	s0 =	rddreg [dreg:$0x0]  }
0x2: {  	s1 =	rddreg [dreg:$0x1]  }
0x3: {  	s2 =	rddreg [dreg:$0x2]  }
0x4: {  	s7 =	rddreg [dreg:$0x5]  }
0x5: {  	s8 =	rddreg [dreg:$0x6]  }
0x6: {  	s9 =	rddreg [dreg:$0x7];
	s4 =	srdreg.scid  }
0x7: {  	s10 =	stileid.u32;
	s3 =	rddreg [dreg:$0x8];
	s20 =	simm.s32 $0x80  }
0x8: {  	s28 =	simm.s32 $0x1;
	s29 =	simm.s32 $0x2;
	s31 =	simm.s32 $0x5900  }
0x9: {  	s30 =	simm.s32 $0x3;
	s17 =	simm.s32 $0x5;
	s11 =	sand.u32 $0x1, s4  }
0xa: {  	s5 =	sshll.u32 s10, $0x1;
	s4 =	simm.s32 $0x0;
	s6 =	sadd.s32 $0x800, s7  }
0xb: {  	s7 =	sadd.s32 $0x190800, s7;
	p0 =	sne.s32 s10, $0x0;
	s12 =	sor.u32 s11, s5  }
0xc: {  	[smem:$0x7FF] =	sst s4;
	s11 =	ssub.s32 $0x2, s11;
	s5 =	smul.u32 $0xC80, s12  }
0xd: {  	_ =	strace $0x80000047;
	s13 =	sshrl.u32 s11, $0x1;
	s22 =	sshll.u32 s12, $0x2  }
0xe: {  	s24 =	sshll.u32 s12, $0x9;
	s12 =	simm.s32 $0x16A00;
	s1 =	sadd.s32 s1, s22  }
0xf: {  	s11 =	ssub.s32 s11, s13;
	s25 =	sadd.s32 s8, s24;
	[dreg:$0xd] =	wrdreg s1  }
0x10: {  	s14 =	sshrl.u32 s5, $0x3;
	s23 =	sadd.s32 $0x200, s5;
	[dreg:$0xf] =	wrdreg s25  }
0x11: {  	s26 =	smax.u32 s11, $0x1;
	s11 =	simm.s32 $0x15A00;
	[dreg:$0xa] =	wrdreg s23  }
0x12: {  	s25 =	simm.s32 $0xD900;
	s21 =	sadd.s32 s0, s14;
	[dreg:$0x11] =	wrdreg s26  }
0x13: {  	s1 =	simm.s32 $0x0;
	s0 =	sadd.s32 s2, s22;
	[dreg:$0xb] =	wrdreg s21  }
0x14: {  	s26 =	simm.s32 $0x1900;
	s13 =	sadd.s32 $0x3200, s21;
	[dreg:$0xe] =	wrdreg s0  }
0x15: {  	s2 =	simm.s32 $0x4;
	s0 =	sadd.s32 s9, s24;
	[dreg:$0xc] =	wrdreg s13  }
0x16: {  	s9 =	simm.s32 $0xC;
	[dreg:$0x10] =	wrdreg s0;
	s0 =	sshrl.u32 @!p0 s3, $0x3  }
0x17: {  	s24 =	simm.s32 $0x9900;
	s13 =	simm.s32 $0x11900;
	[dreg:$0x12] =	wrdreg s0  }
.LBB2_1:
0x18: {  	[dreg:$0x13] =	wrdreg s1  }
0x19: {  	s1 =	rddreg [dreg:$0x3]  }
0x1a: {  	s0 =	simm.s32 @!p0 $0x1C0C;
	s8 =	rddreg [dreg:$0x12]  }
0x1b: {  	[spmem:s8], [sflag:s0] =	dma.local @!p0 [hbm:s1], $0xC80  }
0x1c: {  	s0 =	simm.s32 @!p0 $0xC  }
0x1d: {  	_ =	swait.ge @!p0 [sflag:s0], $0xC80  }
0x1e: {  	[sflag:s0] =	ssyncset.done @!p0 $0x0  }
0x1f: {  	s16 =	rddreg [dreg:$0xb];
	[sflag:s0] =	ssyncadd.s32 @!p0 $0xFFFFF380  }
0x20: {  	[tilespmem:s4], [sflag:$0xC] =	stream.linear.gather [hbm4b:s16+s4], $0xC80, $0x38;
	[tilespmem:$0x18040] =	vst v63  }
0x21: {  	_ =	swait.ge [sflag:s9], $0xC80  }
0x22: {  	[sflag:s9] =	ssyncset.done $0x0  }
0x23: {  	s19 =	simm.s32 $0xC80;
	s18 =	rddreg [dreg:$0xc];
	[sflag:s9] =	ssyncadd.s32 $0xFFFFF380  }
0x24: {  	[tilespmem:s19], [sflag:$0xC] =	stream.linear.gather [hbm4b:s18+s4], $0xC80, $0x38;
	[tilespmem:$0x18040] =	vst v63  }
0x25: {  	_ =	swait.ge [sflag:s9], $0xC80  }
0x26: {  	[sflag:s9] =	ssyncset.done $0x0  }
0x27: {  	[sflag:s9] =	ssyncadd.s32 $0xFFFFF380  }
0x28: {  	[bflag:$0x0] =	sbarrier.arrive $0xFFFF  }
0x29: {  	s22 =	simm.s32 $0x15900;
	s21 =	rddreg [dreg:$0xd]  }
0x2a: {  	[tilespmem:s22], [sflag:$0xC] =	stream.linear.gather [hbm4b:s21+s4], $0x20, $0x38;
	[tilespmem:$0x18040] =	vst v63  }
0x2b: {  	_ =	swait.ge [sflag:s9], $0x20  }
0x2c: {  	[sflag:s9] =	ssyncset.done $0x0  }
0x2d: {  	s10 =	simm.s32 $0x15980;
	s23 =	rddreg [dreg:$0xe];
	[sflag:s9] =	ssyncadd.s32 $0xFFFFFFE0  }
0x2e: {  	[tilespmem:s10], [sflag:$0xC] =	stream.linear.gather [hbm4b:s23+s4], $0x20, $0x38;
	[tilespmem:$0x18040] =	vst v63  }
0x2f: {  	_ =	swait.ge [sflag:s9], $0x20  }
0x30: {  	p1 =	por $0x0, $0x0;
	[sflag:s9] =	ssyncset.done $0x0  }
0x31: {  	s14 =	simm.s32 $0x20;
	p2 =	por p1, p1;
	[sflag:s9] =	ssyncadd.s32 $0xFFFFFFE0  }
0x32: {  	[tilespmem:s11], [sflag:$0xB] =	stream.indirect.gather [hbm4b:s1+s14], $0x80, s22, s14, $0xb8;
	[tilespmem:$0x18040] =	vst v63  }
0x33: {  	s0 =	simm.s32 @p2 $0x6;
	s15 =	rddreg [dreg:$0x4]  }
0x34: {  	[tilespmem:s12], [sflag:$0xB] =	stream.indirect.gather [hbm4b:s15+s14], $0x80, s10, s14, $0xb8;
	[tilespmem:$0x18040] =	vst v63  }
0x35: {  	_ =	swait.ge @p2 [sflag:s0], $0x4000  }
0x36: {  	s8 =	simm.s32 @p2 $0x7;
	s9 =	simm.s32 @p2 $0x80;
	[sflag:s0] =	ssyncset.done @p2 $0x0  }
0x37: {  	s1 =	simm.s32 @p2 $0x1900;
	[sflag:s0] =	ssyncadd.s32 @p2 $0xFFFFC000;
	s0 =	simm.s32 @p2 $0x0  }
0x38: {  	[tilespmem:s1], [sflag:$0x1] =	stream.indirect.gather @p2 [spmem:s3], $0x80, s0, s9, $0xb8;
	[tilespmem:$0x18040] =	vst v63  }
0x39: {  	_ =	swait.ge @p2 [sflag:s8], $0x4000  }
0x3a: {  	s0 =	simm.s32 @p2 $0x8;
	[sflag:s8] =	ssyncset.done @p2 $0x0  }
0x3b: {  	s1 =	simm.s32 @p2 $0x80;
	[sflag:s8] =	ssyncadd.s32 @p2 $0xFFFFC000;
	s8 =	simm.s32 @p2 $0x5900  }
0x3c: {  	[tilespmem:s8], [sflag:$0x2] =	stream.indirect.gather @p2 [spmem:s3], $0x80, s1, s9, $0xb8;
	[tilespmem:$0x18040] =	vst v63  }
0x3d: {  	_ =	swait.ge @p2 [sflag:s0], $0x4000  }
0x3e: {  	s1 =	simm.s32 @p2 $0x9;
	[sflag:s0] =	ssyncset.done @p2 $0x0  }
0x3f: {  	s8 =	simm.s32 @p2 $0x9900;
	[sflag:s0] =	ssyncadd.s32 @p2 $0xFFFFC000;
	s0 =	simm.s32 @p2 $0x100  }
0x40: {  	[tilespmem:s8], [sflag:$0x3] =	stream.indirect.gather @p2 [spmem:s3], $0x80, s0, s9, $0xb8;
	[tilespmem:$0x18040] =	vst v63  }
0x41: {  	_ =	swait.ge @p2 [sflag:s1], $0x4000  }
0x42: {  	s0 =	simm.s32 $0x180;
	[sflag:s1] =	ssyncset.done @p2 $0x0  }
0x43: {  	s8 =	simm.s32 @p2 $0xA;
	[sflag:s1] =	ssyncadd.s32 @p2 $0xFFFFC000;
	s1 =	simm.s32 @p2 $0xD900  }
0x44: {  	[tilespmem:s1], [sflag:$0x4] =	stream.indirect.gather @p2 [spmem:s3], $0x80, s0, s9, $0xb8;
	[tilespmem:$0x18040] =	vst v63  }
0x45: {  	_ =	swait.ge @p2 [sflag:s8], $0x4000  }
0x46: {  	s0 =	simm.s32 @!p2 $0x1900;
	[sflag:s8] =	ssyncset.done @p2 $0x0  }
0x47: {  	s1 =	simm.s32 @!p2 $0x80;
	[sflag:s8] =	ssyncadd.s32 @p2 $0xFFFFC000;
	s8 =	simm.s32 @!p2 $0x0  }
0x48: {  	[tilespmem:s0], [sflag:$0x1] =	stream.indirect.gather @!p2 [spmem:s3], $0x80, s8, s1, $0xb8;
	[tilespmem:$0x18040] =	vst v63  }
0x49: {  	s0 =	simm.s32 @!p2 $0x5900  }
0x4a: {  	[tilespmem:s0], [sflag:$0x2] =	stream.indirect.gather @!p2 [spmem:s3], $0x80, s1, s1, $0xb8;
	[tilespmem:$0x18040] =	vst v63  }
0x4b: {  	s21 =	simm.s32 $0x400;
	s10 =	simm.s32 $0x400;
	s0 =	simm.s32 @p1 $0x0  }
0x4c: {  	s9 =	simm.s32 @!p2 $0x9900;
	s8 =	simm.s32 @!p2 $0x100;
	s0 =	simm.s32 @!p1 $0x0  }
0x4d: {  	[tilespmem:s9], [sflag:$0x3] =	stream.indirect.gather @!p2 [spmem:s3], $0x80, s8, s1, $0xb8;
	[tilespmem:$0x18040] =	vst v63  }
0x4e: {  	s8 =	simm.s32 @!p2 $0x180;
	s16 =	sadd.s32 $0x200, s0;
	s0 =	sadd.s32 s5, s0  }
0x4f: {  	s9 =	simm.s32 @!p2 $0xD900;
	s0 =	sshll.u32 s0, $0x4;
	s23 =	sadd.s32 s5, s16  }
0x50: {  	[tilespmem:s9], [sflag:$0x4] =	stream.indirect.gather @!p2 [spmem:s3], $0x80, s8, s1, $0xb8;
	[tilespmem:$0x18040] =	vst v63  }
0x51: {  	s1 =	simm.s32 @p1 $0x80;
	s0 =	sadd.s32 s6, s0;
	s8 =	simm.s32 $0x180  }
0x52: {  	[tilespmem:s13], [sflag:$0x5] =	stream.indirect.gather [spmem:s3], $0x80, s16, s20, $0xb8;
	[tilespmem:$0x18040] =	vst v63  }
0x53: {  	s1 =	simm.s32 @!p1 $0x80;
	s8 =	simm.s32 @!p1 $0x180;
	_ =	swait.ge [sflag:s28], $0x4000  }
0x54: {  	s1 =	sadd.s32 s5, s1;
	s8 =	sadd.s32 s5, s8;
	[sflag:s28] =	ssyncset.done $0x0  }
0x55: {  	s1 =	sshll.u32 s1, $0x4;
	s18 =	sshll.u32 s8, $0x4;
	[sflag:s28] =	ssyncadd.s32 $0xFFFFC000  }
0x56: {  	[hbm4b:s0+s4] =	stream.linear.scatter [tilespmem:s26], [sflag:$0x6], $0x4000, $0x38;
	[tilespmem:$0x18040] =	vst v63  }
0x57: {  	s8 =	simm.s32 $0x680;
	s0 =	simm.s32 @p1 $0x100;
	_ =	swait.ge [sflag:s29], $0x4000  }
0x58: {  	s1 =	sadd.s32 s6, s1;
	s0 =	simm.s32 @!p1 $0x100;
	[sflag:s29] =	ssyncset.done $0x0  }
0x59: {  	p1 =	por $0x1, $0x1;
	s0 =	sadd.s32 s5, s0;
	[sflag:s29] =	ssyncadd.s32 $0xFFFFC000  }
0x5a: {  	[hbm4b:s1+s4] =	stream.linear.scatter [tilespmem:s31], [sflag:$0x7], $0x4000, $0x38;
	[tilespmem:$0x18040] =	vst v63  }
0x5b: {  	s12 =	simm.s32 @p1 $0x280;
	s10 =	simm.s32 @!p1 $0x180;
	_ =	swait.ge [sflag:s30], $0x4000  }
0x5c: {  	s0 =	sshll.u32 s0, $0x4;
	s12 =	simm.s32 @!p1 $0x0;
	[sflag:s30] =	ssyncset.done $0x0  }
0x5d: {  	s22 =	sadd.s32 s5, s10;
	s0 =	sadd.s32 s6, s0;
	[sflag:s30] =	ssyncadd.s32 $0xFFFFC000  }
0x5e: {  	[hbm4b:s0+s4] =	stream.linear.scatter [tilespmem:s24], [sflag:$0x8], $0x4000, $0x38;
	[tilespmem:$0x18040] =	vst v63  }
0x5f: {  	s19 =	sadd.s32 s5, s12;
	s0 =	simm.s32 @p1 $0x300;
	_ =	swait.ge [sflag:s2], $0x4000  }
0x60: {  	s1 =	sadd.s32 s6, s18;
	s0 =	simm.s32 @!p1 $0x80;
	[sflag:s2] =	ssyncset.done $0x0  }
0x61: {  	s13 =	sshll.u32 s22, $0x4;
	s0 =	sadd.s32 s5, s0;
	[sflag:s2] =	ssyncadd.s32 $0xFFFFC000  }
0x62: {  	[hbm4b:s1+s4] =	stream.linear.scatter [tilespmem:s25], [sflag:$0x9], $0x4000, $0x38;
	[tilespmem:$0x18040] =	vst v63  }
0x63: {  	s14 =	sshll.u32 s19, $0x4;
	s15 =	sshll.u32 s0, $0x4;
	s1 =	simm.s32 @p1 $0x380  }
0x64: {  	s0 =	sshll.u32 s23, $0x4;
	s1 =	simm.s32 @!p1 $0x100;
	_ =	swait.ge [sflag:s17], $0x4000  }
0x65: {  	s0 =	sadd.s32 s6, s0;
	s1 =	sadd.s32 s5, s1;
	[sflag:s17] =	ssyncset.done $0x0  }
0x66: {  	p1 =	por p1, p1;
	s22 =	sshll.u32 s1, $0x4;
	[sflag:s17] =	ssyncadd.s32 $0xFFFFC000  }
.LBB2_2:
0x67: {  	s23 =	simm.s32 $0x11900;
	s1 =	smov.u32 s8  }
0x68: {  	[hbm4b:s0+s4] =	stream.linear.scatter [tilespmem:s23], [sflag:$0xA], $0x4000, $0x38;
	[tilespmem:$0x18040] =	vst v63  }
0x69: {  	s8 =	sadd.s32 $0x280, s8;
	s9 =	simm.s32 @p1 $0x6;
	p2 =	sne.s32 s1, $0x180  }
0x6a: {  	s0 =	sadd.s32 @p2 $0xFFFFFE80, s1;
	s10 =	sadd.s32 @p2 $0xFFFFFF00, s1;
	_ =	swait.ge @p1 [sflag:s9], $0x4000  }
0x6b: {  	s11 =	simm.s32 @p1 $0x1900;
	s16 =	simm.s32 @p1 $0x7;
	[sflag:s9] =	ssyncset.done @p1 $0x0  }
0x6c: {  	s18 =	simm.s32 @p1 $0x80;
	[sflag:s9] =	ssyncadd.s32 @p1 $0xFFFFC000;
	s9 =	sadd.s32 @p1 $0xFFFFFE80, s21  }
0x6d: {  	[tilespmem:s11], [sflag:$0x1] =	stream.indirect.gather @p1 [spmem:s3], $0x80, s9, s18, $0xb8;
	[tilespmem:$0x18040] =	vst v63  }
0x6e: {  	s10 =	simm.s32 @!p2 $0x80;
	s0 =	simm.s32 @!p2 $0x0;
	_ =	swait.ge @p1 [sflag:s16], $0x4000  }
0x6f: {  	s19 =	simm.s32 @p1 $0x8;
	s9 =	sadd.s32 s5, s0;
	[sflag:s16] =	ssyncset.done @p1 $0x0  }
0x70: {  	s11 =	sadd.s32 @p1 $0xFFFFFF00, s21;
	[sflag:s16] =	ssyncadd.s32 @p1 $0xFFFFC000;
	s16 =	simm.s32 @p1 $0x5900  }
0x71: {  	[tilespmem:s16], [sflag:$0x2] =	stream.indirect.gather @p1 [spmem:s3], $0x80, s11, s18, $0xb8;
	[tilespmem:$0x18040] =	vst v63  }
0x72: {  	s11 =	sshll.u32 s9, $0x4;
	s9 =	sadd.s32 s5, s10;
	_ =	swait.ge @p1 [sflag:s19], $0x4000  }
0x73: {  	s10 =	simm.s32 @p1 $0x9;
	s9 =	sshll.u32 s9, $0x4;
	[sflag:s19] =	ssyncset.done @p1 $0x0  }
0x74: {  	s16 =	sadd.s32 @p1 $0xFFFFFF80, s21;
	[sflag:s19] =	ssyncadd.s32 @p1 $0xFFFFC000;
	s19 =	simm.s32 @p1 $0x9900  }
0x75: {  	[tilespmem:s19], [sflag:$0x3] =	stream.indirect.gather @p1 [spmem:s3], $0x80, s16, s18, $0xb8;
	[tilespmem:$0x18040] =	vst v63  }
0x76: {  	s16 =	sadd.s32 @p2 $0xFFFFFF80, s1;
	s1 =	simm.s32 @!p2 $0x180;
	_ =	swait.ge @p1 [sflag:s10], $0x4000  }
0x77: {  	s16 =	simm.s32 @!p2 $0x100;
	s1 =	sadd.s32 s5, s1;
	[sflag:s10] =	ssyncset.done @p1 $0x0  }
0x78: {  	s19 =	simm.s32 @p1 $0xA;
	[sflag:s10] =	ssyncadd.s32 @p1 $0xFFFFC000;
	s10 =	simm.s32 @p1 $0xD900  }
0x79: {  	[tilespmem:s10], [sflag:$0x4] =	stream.indirect.gather @p1 [spmem:s3], $0x80, s21, s18, $0xb8;
	[tilespmem:$0x18040] =	vst v63  }
0x7a: {  	s16 =	sadd.s32 s5, s16;
	s10 =	sshll.u32 s1, $0x4;
	_ =	swait.ge @p1 [sflag:s19], $0x4000  }
0x7b: {  	s1 =	sshll.u32 s16, $0x4;
	s16 =	simm.s32 @!p1 $0x1900;
	[sflag:s19] =	ssyncset.done @p1 $0x0  }
0x7c: {  	s18 =	simm.s32 @!p1 $0x80;
	[sflag:s19] =	ssyncadd.s32 @p1 $0xFFFFC000;
	s19 =	simm.s32 @!p1 $0x0  }
0x7d: {  	[tilespmem:s16], [sflag:$0x1] =	stream.indirect.gather @!p1 [spmem:s3], $0x80, s19, s18, $0xb8;
	[tilespmem:$0x18040] =	vst v63  }
0x7e: {  	p3 =	sne.s32 s8, $0xE00;
	s16 =	simm.s32 @!p1 $0x5900  }
0x7f: {  	[tilespmem:s16], [sflag:$0x2] =	stream.indirect.gather @!p1 [spmem:s3], $0x80, s18, s18, $0xb8;
	[tilespmem:$0x18040] =	vst v63  }
0x80: {  	s19 =	simm.s32 @!p1 $0x9900;
	s16 =	simm.s32 @!p1 $0x100  }
0x81: {  	[tilespmem:s19], [sflag:$0x3] =	stream.indirect.gather @!p1 [spmem:s3], $0x80, s16, s18, $0xb8;
	[tilespmem:$0x18040] =	vst v63  }
0x82: {  	s16 =	simm.s32 @!p1 $0x180;
	s19 =	simm.s32 @!p1 $0xD900  }
0x83: {  	[tilespmem:s19], [sflag:$0x4] =	stream.indirect.gather @!p1 [spmem:s3], $0x80, s16, s18, $0xb8;
	[tilespmem:$0x18040] =	vst v63  }
0x84: {  	s16 =	sadd.s32 $0x200, s12;
	s12 =	smov.u32 s0;
	p1 =	por p2, p2  }
0x85: {  	[tilespmem:s23], [sflag:$0x5] =	stream.indirect.gather [spmem:s3], $0x80, s16, s20, $0xb8;
	[tilespmem:$0x18040] =	vst v63  }
0x86: {  	s0 =	sadd.s32 s5, s16;
	_ =	swait.ge [sflag:s28], $0x4000  }
0x87: {  	s0 =	sshll.u32 s0, $0x4;
	[sflag:s28] =	ssyncset.done $0x0  }
0x88: {  	s16 =	sadd.s32 s6, s14;
	s14 =	smov.u32 s11;
	[sflag:s28] =	ssyncadd.s32 $0xFFFFC000  }
0x89: {  	[hbm4b:s16+s4] =	stream.linear.scatter [tilespmem:s26], [sflag:$0x6], $0x4000, $0x38;
	[tilespmem:$0x18040] =	vst v63  }
0x8a: {  	_ =	swait.ge [sflag:s29], $0x4000  }
0x8b: {  	[sflag:s29] =	ssyncset.done $0x0  }
0x8c: {  	s11 =	sadd.s32 s6, s15;
	s15 =	smov.u32 s9;
	[sflag:s29] =	ssyncadd.s32 $0xFFFFC000  }
0x8d: {  	[hbm4b:s11+s4] =	stream.linear.scatter [tilespmem:s31], [sflag:$0x7], $0x4000, $0x38;
	[tilespmem:$0x18040] =	vst v63  }
0x8e: {  	_ =	swait.ge [sflag:s30], $0x4000  }
0x8f: {  	[sflag:s30] =	ssyncset.done $0x0  }
0x90: {  	s9 =	sadd.s32 s6, s22;
	s22 =	smov.u32 s1;
	[sflag:s30] =	ssyncadd.s32 $0xFFFFC000  }
0x91: {  	[hbm4b:s9+s4] =	stream.linear.scatter [tilespmem:s24], [sflag:$0x8], $0x4000, $0x38;
	[tilespmem:$0x18040] =	vst v63  }
0x92: {  	_ =	swait.ge [sflag:s2], $0x4000  }
0x93: {  	[sflag:s2] =	ssyncset.done $0x0  }
.Ltmp0:
0x94: {  	s1 =	sadd.s32 s6, s13;
	[sflag:s2] =	ssyncadd.s32 $0xFFFFC000;
	(pc) =	sbr.rel @p3 .LBB2_2-.Ltmp0, $4  }
0x95: {  	[hbm4b:s1+s4] =	stream.linear.scatter [tilespmem:s25], [sflag:$0x9], $0x4000, $0x38;
	[tilespmem:$0x18040] =	vst v63  }
0x96: {  	s13 =	smov.u32 s10;
	_ =	swait.ge [sflag:s17], $0x4000  }
0x97: {  	[sflag:s17] =	ssyncset.done $0x0  }
0x98: {  	s21 =	sadd.s32 $0x280, s21;
	s0 =	sadd.s32 s6, s0;
	[sflag:s17] =	ssyncadd.s32 $0xFFFFC000  }
0x99: {  	s16 =	simm.s32 $0x11900  }
0x9a: {  	[hbm4b:s0+s4] =	stream.linear.scatter [tilespmem:s16], [sflag:$0xA], $0x4000, $0x38;
	[tilespmem:$0x18040] =	vst v63  }
0x9b: {  	s0 =	simm.s32 @p1 $0x6  }
0x9c: {  	_ =	swait.ge @p1 [sflag:s0], $0x4000  }
0x9d: {  	s1 =	simm.s32 @p1 $0x1900;
	s8 =	simm.s32 @p1 $0x7;
	[sflag:s0] =	ssyncset.done @p1 $0x0  }
0x9e: {  	s9 =	simm.s32 @p1 $0x80;
	[sflag:s0] =	ssyncadd.s32 @p1 $0xFFFFC000;
	s0 =	sadd.s32 @p1 $0xFFFFFE80, s21  }
0x9f: {  	[tilespmem:s1], [sflag:$0x1] =	stream.indirect.gather @p1 [spmem:s3], $0x80, s0, s9, $0xb8;
	[tilespmem:$0x18040] =	vst v63  }
0xa0: {  	_ =	swait.ge @p1 [sflag:s8], $0x4000  }
0xa1: {  	s0 =	simm.s32 @p1 $0x8;
	[sflag:s8] =	ssyncset.done @p1 $0x0  }
0xa2: {  	s1 =	sadd.s32 @p1 $0xFFFFFF00, s21;
	[sflag:s8] =	ssyncadd.s32 @p1 $0xFFFFC000;
	s8 =	simm.s32 @p1 $0x5900  }
0xa3: {  	[tilespmem:s8], [sflag:$0x2] =	stream.indirect.gather @p1 [spmem:s3], $0x80, s1, s9, $0xb8;
	[tilespmem:$0x18040] =	vst v63  }
0xa4: {  	_ =	swait.ge @p1 [sflag:s0], $0x4000  }
0xa5: {  	s1 =	simm.s32 @p1 $0x9;
	[sflag:s0] =	ssyncset.done @p1 $0x0  }
0xa6: {  	s8 =	simm.s32 @p1 $0x9900;
	[sflag:s0] =	ssyncadd.s32 @p1 $0xFFFFC000;
	s0 =	sadd.s32 @p1 $0xFFFFFF80, s21  }
0xa7: {  	[tilespmem:s8], [sflag:$0x3] =	stream.indirect.gather @p1 [spmem:s3], $0x80, s0, s9, $0xb8;
	[tilespmem:$0x18040] =	vst v63  }
0xa8: {  	_ =	swait.ge @p1 [sflag:s1], $0x4000  }
0xa9: {  	[sflag:s1] =	ssyncset.done @p1 $0x0  }
0xaa: {  	s0 =	simm.s32 @p1 $0xD900;
	[sflag:s1] =	ssyncadd.s32 @p1 $0xFFFFC000;
	s1 =	simm.s32 @p1 $0xA  }
0xab: {  	[tilespmem:s0], [sflag:$0x4] =	stream.indirect.gather @p1 [spmem:s3], $0x80, s21, s9, $0xb8;
	[tilespmem:$0x18040] =	vst v63  }
0xac: {  	_ =	swait.ge @p1 [sflag:s1], $0x4000  }
0xad: {  	s8 =	simm.s32 @!p1 $0x0;
	[sflag:s1] =	ssyncset.done @p1 $0x0  }
0xae: {  	s0 =	simm.s32 @!p1 $0x1900;
	[sflag:s1] =	ssyncadd.s32 @p1 $0xFFFFC000;
	s1 =	simm.s32 @!p1 $0x80  }
0xaf: {  	[tilespmem:s0], [sflag:$0x1] =	stream.indirect.gather @!p1 [spmem:s3], $0x80, s8, s1, $0xb8;
	[tilespmem:$0x18040] =	vst v63  }
0xb0: {  	s0 =	simm.s32 @!p1 $0x5900  }
0xb1: {  	[tilespmem:s0], [sflag:$0x2] =	stream.indirect.gather @!p1 [spmem:s3], $0x80, s1, s1, $0xb8;
	[tilespmem:$0x18040] =	vst v63  }
0xb2: {  	s8 =	simm.s32 @!p1 $0x9900;
	s0 =	simm.s32 @!p1 $0x100  }
0xb3: {  	[tilespmem:s8], [sflag:$0x3] =	stream.indirect.gather @!p1 [spmem:s3], $0x80, s0, s1, $0xb8;
	[tilespmem:$0x18040] =	vst v63  }
0xb4: {  	s0 =	simm.s32 @!p1 $0x180;
	s8 =	simm.s32 @!p1 $0xD900  }
0xb5: {  	[tilespmem:s8], [sflag:$0x4] =	stream.indirect.gather @!p1 [spmem:s3], $0x80, s0, s1, $0xb8;
	[tilespmem:$0x18040] =	vst v63  }
0xb6: {  	s19 =	sadd.s32 $0x200, s12  }
0xb7: {  	[tilespmem:s16], [sflag:$0x5] =	stream.indirect.gather [spmem:s3], $0x80, s19, s20, $0xb8;
	[tilespmem:$0x18040] =	vst v63  }
0xb8: {  	_ =	swait.ge [sflag:s28], $0x4000  }
0xb9: {  	[sflag:s28] =	ssyncset.done $0x0  }
0xba: {  	s21 =	sadd.s32 s6, s14;
	[sflag:s28] =	ssyncadd.s32 $0xFFFFC000  }
0xbb: {  	[hbm4b:s21+s4] =	stream.linear.scatter [tilespmem:s26], [sflag:$0x6], $0x4000, $0x38;
	[tilespmem:$0x18040] =	vst v63  }
0xbc: {  	_ =	swait.ge [sflag:s29], $0x4000  }
0xbd: {  	[sflag:s29] =	ssyncset.done $0x0  }
0xbe: {  	s23 =	sadd.s32 s6, s15;
	[sflag:s29] =	ssyncadd.s32 $0xFFFFC000  }
0xbf: {  	[hbm4b:s23+s4] =	stream.linear.scatter [tilespmem:s31], [sflag:$0x7], $0x4000, $0x38;
	[tilespmem:$0x18040] =	vst v63  }
0xc0: {  	_ =	swait.ge [sflag:s30], $0x4000  }
0xc1: {  	[sflag:s30] =	ssyncset.done $0x0  }
0xc2: {  	s8 =	sadd.s32 s6, s22;
	[sflag:s30] =	ssyncadd.s32 $0xFFFFC000  }
0xc3: {  	[hbm4b:s8+s4] =	stream.linear.scatter [tilespmem:s24], [sflag:$0x8], $0x4000, $0x38;
	[tilespmem:$0x18040] =	vst v63  }
0xc4: {  	_ =	swait.ge [sflag:s2], $0x4000  }
0xc5: {  	[sflag:s2] =	ssyncset.done $0x0  }
0xc6: {  	s9 =	sadd.s32 s6, s13;
	[sflag:s2] =	ssyncadd.s32 $0xFFFFC000  }
0xc7: {  	[hbm4b:s9+s4] =	stream.linear.scatter [tilespmem:s25], [sflag:$0x9], $0x4000, $0x38;
	[tilespmem:$0x18040] =	vst v63  }
0xc8: {  	s0 =	sadd.s32 s5, s19;
	_ =	swait.ge [sflag:s17], $0x4000  }
0xc9: {  	s0 =	sshll.u32 s0, $0x4;
	[sflag:s17] =	ssyncset.done $0x0  }
0xca: {  	s10 =	simm.s32 $0x6;
	s0 =	sadd.s32 s6, s0;
	[sflag:s17] =	ssyncadd.s32 $0xFFFFC000  }
0xcb: {  	[hbm4b:s0+s4] =	stream.linear.scatter [tilespmem:s16], [sflag:$0xA], $0x4000, $0x38;
	[tilespmem:$0x18040] =	vst v63  }
0xcc: {  	_ =	swait.ge [sflag:s10], $0x4000  }
0xcd: {  	[sflag:s10] =	ssyncset.done $0x0  }
0xce: {  	s11 =	simm.s32 $0x7;
	[sflag:s10] =	ssyncadd.s32 $0xFFFFC000  }
0xcf: {  	_ =	swait.ge [sflag:s11], $0x4000  }
0xd0: {  	[sflag:s11] =	ssyncset.done $0x0  }
0xd1: {  	s12 =	simm.s32 $0x8;
	[sflag:s11] =	ssyncadd.s32 $0xFFFFC000  }
0xd2: {  	_ =	swait.ge [sflag:s12], $0x4000  }
0xd3: {  	[sflag:s12] =	ssyncset.done $0x0  }
0xd4: {  	s13 =	simm.s32 $0x9;
	[sflag:s12] =	ssyncadd.s32 $0xFFFFC000  }
0xd5: {  	_ =	swait.ge [sflag:s13], $0x4000  }
0xd6: {  	[sflag:s13] =	ssyncset.done $0x0  }
0xd7: {  	s14 =	simm.s32 $0xA;
	[sflag:s13] =	ssyncadd.s32 $0xFFFFC000  }
0xd8: {  	p1 =	por $0x0, $0x0;
	_ =	swait.ge [sflag:s14], $0x4000  }
0xd9: {  	p2 =	por p1, p1;
	[sflag:s14] =	ssyncset.done $0x0  }
0xda: {  	s0 =	simm.s32 @p2 $0x6;
	[sflag:s14] =	ssyncadd.s32 $0xFFFFC000  }
0xdb: {  	_ =	swait.ge @p2 [sflag:s0], $0x4000  }
0xdc: {  	s1 =	simm.s32 @p1 $0xC80;
	s8 =	simm.s32 @p2 $0x7;
	[sflag:s0] =	ssyncset.done @p2 $0x0  }
0xdd: {  	s9 =	simm.s32 @p2 $0x1900;
	[sflag:s0] =	ssyncadd.s32 @p2 $0xFFFFC000;
	s0 =	simm.s32 @p2 $0x80  }
0xde: {  	[tilespmem:s9], [sflag:$0x1] =	stream.indirect.gather @p2 [spmem:s3], $0x80, s1, s0, $0xb8;
	[tilespmem:$0x18040] =	vst v63  }
0xdf: {  	_ =	swait.ge @p2 [sflag:s8], $0x4000  }
0xe0: {  	s1 =	simm.s32 @p1 $0xD00;
	[sflag:s8] =	ssyncset.done @p2 $0x0  }
0xe1: {  	s9 =	simm.s32 @p2 $0x8;
	[sflag:s8] =	ssyncadd.s32 @p2 $0xFFFFC000;
	s8 =	simm.s32 @p2 $0x5900  }
0xe2: {  	[tilespmem:s8], [sflag:$0x2] =	stream.indirect.gather @p2 [spmem:s3], $0x80, s1, s0, $0xb8;
	[tilespmem:$0x18040] =	vst v63  }
0xe3: {  	s10 =	simm.s32 @p1 $0xE00;
	_ =	swait.ge @p2 [sflag:s9], $0x4000  }
0xe4: {  	s11 =	simm.s32 @p2 $0xA;
	s12 =	simm.s32 @!p2 $0xC80;
	[sflag:s9] =	ssyncset.done @p2 $0x0  }
0xe5: {  	s1 =	simm.s32 @p1 $0xD80;
	s8 =	simm.s32 @p2 $0x9900;
	[sflag:s9] =	ssyncadd.s32 @p2 $0xFFFFC000  }
0xe6: {  	[tilespmem:s8], [sflag:$0x3] =	stream.indirect.gather @p2 [spmem:s3], $0x80, s1, s0, $0xb8;
	[tilespmem:$0x18040] =	vst v63  }
0xe7: {  	s13 =	simm.s32 @!p2 $0xD900;
	s9 =	simm.s32 @p2 $0x9;
	s8 =	simm.s32 @p1 $0x0  }
0xe8: {  	s1 =	simm.s32 $0x180;
	_ =	swait.ge @p2 [sflag:s9], $0x4000;
	s8 =	simm.s32 @!p1 $0x0  }
0xe9: {  	s1 =	simm.s32 @!p1 $0x180;
	[sflag:s9] =	ssyncset.done @p2 $0x0;
	s8 =	sadd.s32 $0xE80, s8  }
0xea: {  	s1 =	sadd.s32 s5, s1;
	[sflag:s9] =	ssyncadd.s32 @p2 $0xFFFFC000;
	s9 =	simm.s32 @p2 $0xD900  }
0xeb: {  	[tilespmem:s9], [sflag:$0x4] =	stream.indirect.gather @p2 [spmem:s3], $0x80, s10, s0, $0xb8;
	[tilespmem:$0x18040] =	vst v63  }
0xec: {  	s1 =	sshll.u32 s1, $0x4;
	s9 =	simm.s32 @p1 $0x0;
	_ =	swait.ge @p2 [sflag:s11], $0x4000  }
0xed: {  	s0 =	simm.s32 @p1 $0x80;
	s10 =	simm.s32 @!p2 $0x1900;
	[sflag:s11] =	ssyncset.done @p2 $0x0  }
0xee: {  	s9 =	simm.s32 @!p1 $0x0;
	[sflag:s11] =	ssyncadd.s32 @p2 $0xFFFFC000;
	s11 =	simm.s32 @!p2 $0x80  }
0xef: {  	[tilespmem:s10], [sflag:$0x1] =	stream.indirect.gather @!p2 [spmem:s3], $0x80, s12, s11, $0xb8;
	[tilespmem:$0x18040] =	vst v63  }
0xf0: {  	s0 =	simm.s32 @!p1 $0x80;
	s10 =	simm.s32 @!p2 $0xD00;
	s12 =	simm.s32 @!p2 $0x5900  }
0xf1: {  	[tilespmem:s12], [sflag:$0x2] =	stream.indirect.gather @!p2 [spmem:s3], $0x80, s10, s11, $0xb8;
	[tilespmem:$0x18040] =	vst v63  }
0xf2: {  	s0 =	sadd.s32 s5, s0;
	s10 =	simm.s32 @!p2 $0xD80;
	s12 =	simm.s32 @!p2 $0x9900  }
0xf3: {  	[tilespmem:s12], [sflag:$0x3] =	stream.indirect.gather @!p2 [spmem:s3], $0x80, s10, s11, $0xb8;
	[tilespmem:$0x18040] =	vst v63  }
0xf4: {  	s15 =	sadd.s32 s5, s9;
	s0 =	sshll.u32 s0, $0x4;
	s12 =	simm.s32 @!p2 $0xE00  }
0xf5: {  	[tilespmem:s13], [sflag:$0x4] =	stream.indirect.gather @!p2 [spmem:s3], $0x80, s12, s11, $0xb8;
	[tilespmem:$0x18040] =	vst v63  }
0xf6: {  	s1 =	sadd.s32 s7, s1;
	s0 =	sadd.s32 s7, s0;
	s10 =	sshll.u32 s15, $0x4  }
0xf7: {  	[tilespmem:s16], [sflag:$0x5] =	stream.indirect.gather [spmem:s3], $0x80, s8, s20, $0xb8;
	[tilespmem:$0x18040] =	vst v63  }
0xf8: {  	s10 =	sadd.s32 s7, s10;
	s8 =	simm.s32 @p1 $0x100;
	_ =	swait.ge [sflag:s28], $0x4000  }
0xf9: {  	s11 =	simm.s32 $0x400;
	s8 =	simm.s32 @!p1 $0x100;
	[sflag:s28] =	ssyncset.done $0x0  }
0xfa: {  	p1 =	por $0x1, $0x1;
	s8 =	sadd.s32 s5, s8;
	[sflag:s28] =	ssyncadd.s32 $0xFFFFC000  }
0xfb: {  	[hbm4b:s10+s4] =	stream.linear.scatter [tilespmem:s26], [sflag:$0x6], $0x4000, $0x38;
	[tilespmem:$0x18040] =	vst v63  }
0xfc: {  	s21 =	simm.s32 @p1 $0x280;
	s22 =	simm.s32 @p1 $0x280;
	_ =	swait.ge [sflag:s29], $0x4000  }
0xfd: {  	s20 =	simm.s32 @p1 $0xF00;
	s19 =	simm.s32 @p1 $0xF80;
	[sflag:s29] =	ssyncset.done $0x0  }
0xfe: {  	s11 =	simm.s32 @!p1 $0x180;
	s18 =	sshll.u32 s8, $0x4;
	[sflag:s29] =	ssyncadd.s32 $0xFFFFC000  }
0xff: {  	[hbm4b:s0+s4] =	stream.linear.scatter [tilespmem:s31], [sflag:$0x7], $0x4000, $0x38;
	[tilespmem:$0x18040] =	vst v63  }
0x100: {  	s8 =	simm.s32 $0x1400;
	s22 =	simm.s32 @!p1 $0x0;
	_ =	swait.ge [sflag:s30], $0x4000  }
0x101: {  	s21 =	simm.s32 @!p1 $0x0;
	s23 =	sadd.s32 s7, s18;
	[sflag:s30] =	ssyncset.done $0x0  }
0x102: {  	s18 =	simm.s32 @p1 $0x1000;
	s10 =	simm.s32 @p1 $0x300;
	[sflag:s30] =	ssyncadd.s32 $0xFFFFC000  }
0x103: {  	[hbm4b:s23+s4] =	stream.linear.scatter [tilespmem:s24], [sflag:$0x8], $0x4000, $0x38;
	[tilespmem:$0x18040] =	vst v63  }
0x104: {  	s26 =	sadd.s32 s5, s21;
	s10 =	simm.s32 @!p1 $0x80;
	_ =	swait.ge [sflag:s2], $0x4000  }
0x105: {  	s14 =	sshll.u32 s26, $0x4;
	s10 =	sadd.s32 s5, s10;
	[sflag:s2] =	ssyncset.done $0x0  }
0x106: {  	s15 =	sshll.u32 s10, $0x4;
	s29 =	sadd.s32 s5, s11;
	[sflag:s2] =	ssyncadd.s32 $0xFFFFC000  }
0x107: {  	[hbm4b:s1+s4] =	stream.linear.scatter [tilespmem:s25], [sflag:$0x9], $0x4000, $0x38;
	[tilespmem:$0x18040] =	vst v63  }
0x108: {  	s0 =	simm.s32 @p1 $0x1080;
	s1 =	simm.s32 @p1 $0x380;
	_ =	swait.ge [sflag:s17], $0x4000  }
0x109: {  	s12 =	sshll.u32 s29, $0x4;
	s1 =	simm.s32 @!p1 $0x100;
	s28 =	rddreg [dreg:$0xa]  }
0x10a: {  	p1 =	por p1, p1;
	s1 =	sadd.s32 s5, s1;
	s31 =	sadd.s32 s9, s28  }
0x10b: {  	[sflag:s17] =	ssyncset.done $0x0;
	s13 =	sshll.u32 s1, $0x4;
	s1 =	sshll.u32 s31, $0x4  }
0x10c: {  	[sflag:s17] =	ssyncadd.s32 $0xFFFFC000;
	s9 =	simm.s32 $0x680;
	s1 =	sadd.s32 s7, s1  }
.LBB2_4:
0x10d: {  	s28 =	simm.s32 $0x11900  }
0x10e: {  	[hbm4b:s1+s4] =	stream.linear.scatter [tilespmem:s28], [sflag:$0xA], $0x4000, $0x38;
	[tilespmem:$0x18040] =	vst v63  }
0x10f: {  	s23 =	simm.s32 @p1 $0x6;
	s1 =	smov.u32 s8  }
0x110: {  	p2 =	sne.s32 s1, $0x0;
	_ =	swait.ge @p1 [sflag:s23], $0x4000  }
0x111: {  	s24 =	simm.s32 @p1 $0x80;
	s11 =	sshra.s32 @p2 s1, $0x2;
	[sflag:s23] =	ssyncset.done @p1 $0x0  }
0x112: {  	s1 =	simm.s32 @p1 $0x7;
	[sflag:s23] =	ssyncadd.s32 @p1 $0xFFFFC000;
	s23 =	simm.s32 @p1 $0x1900  }
0x113: {  	[tilespmem:s23], [sflag:$0x1] =	stream.indirect.gather @p1 [spmem:s3], $0x80, s20, s24, $0xb8;
	[tilespmem:$0x18040] =	vst v63  }
0x114: {  	_ =	swait.ge @p1 [sflag:s1], $0x4000  }
0x115: {  	[sflag:s1] =	ssyncset.done @p1 $0x0  }
0x116: {  	s20 =	simm.s32 @p1 $0x8;
	[sflag:s1] =	ssyncadd.s32 @p1 $0xFFFFC000;
	s1 =	simm.s32 @p1 $0x5900  }
0x117: {  	[tilespmem:s1], [sflag:$0x2] =	stream.indirect.gather @p1 [spmem:s3], $0x80, s19, s24, $0xb8;
	[tilespmem:$0x18040] =	vst v63  }
0x118: {  	_ =	swait.ge @p1 [sflag:s20], $0x4000  }
0x119: {  	s25 =	simm.s32 @p1 $0x9;
	s19 =	sadd.s32 @p2 $0xFFFFFF00, s9;
	[sflag:s20] =	ssyncset.done @p1 $0x0  }
0x11a: {  	s19 =	simm.s32 @!p2 $0x80;
	[sflag:s20] =	ssyncadd.s32 @p1 $0xFFFFC000;
	s20 =	simm.s32 @p1 $0x9900  }
0x11b: {  	[tilespmem:s20], [sflag:$0x3] =	stream.indirect.gather @p1 [spmem:s3], $0x80, s18, s24, $0xb8;
	[tilespmem:$0x18040] =	vst v63  }
0x11c: {  	s20 =	sadd.s32 s5, s19;
	s19 =	sadd.s32 @p2 $0xFFFFFF80, s9;
	_ =	swait.ge @p1 [sflag:s25], $0x4000  }
0x11d: {  	s18 =	simm.s32 @p1 $0xD900;
	s31 =	sshll.u32 s20, $0x4;
	[sflag:s25] =	ssyncset.done @p1 $0x0  }
0x11e: {  	s20 =	simm.s32 @p1 $0xA;
	s19 =	simm.s32 @!p2 $0x100;
	[sflag:s25] =	ssyncadd.s32 @p1 $0xFFFFC000  }
0x11f: {  	[tilespmem:s18], [sflag:$0x4] =	stream.indirect.gather @p1 [spmem:s3], $0x80, s0, s24, $0xb8;
	[tilespmem:$0x18040] =	vst v63  }
0x120: {  	s25 =	sadd.s32 s5, s19;
	s19 =	simm.s32 @!p1 $0x1900;
	_ =	swait.ge @p1 [sflag:s20], $0x4000  }
0x121: {  	s0 =	smov.u32 s9;
	s24 =	simm.s32 @!p1 $0xC80;
	[sflag:s20] =	ssyncset.done @p1 $0x0  }
0x122: {  	s0 =	simm.s32 @!p2 $0x180;
	[sflag:s20] =	ssyncadd.s32 @p1 $0xFFFFC000;
	s20 =	simm.s32 @!p1 $0x80  }
0x123: {  	[tilespmem:s19], [sflag:$0x1] =	stream.indirect.gather @!p1 [spmem:s3], $0x80, s24, s20, $0xb8;
	[tilespmem:$0x18040] =	vst v63  }
0x124: {  	s18 =	simm.s32 @!p1 $0xD00;
	s0 =	sadd.s32 s5, s0;
	s19 =	simm.s32 @!p1 $0x5900  }
0x125: {  	[tilespmem:s19], [sflag:$0x2] =	stream.indirect.gather @!p1 [spmem:s3], $0x80, s18, s20, $0xb8;
	[tilespmem:$0x18040] =	vst v63  }
0x126: {  	s24 =	sshll.u32 s25, $0x4;
	s18 =	simm.s32 @!p1 $0xD80;
	s19 =	simm.s32 @!p1 $0x9900  }
0x127: {  	[tilespmem:s19], [sflag:$0x3] =	stream.indirect.gather @!p1 [spmem:s3], $0x80, s18, s20, $0xb8;
	[tilespmem:$0x18040] =	vst v63  }
0x128: {  	s25 =	sshll.u32 s0, $0x4;
	s0 =	simm.s32 @!p1 $0xE00;
	s18 =	simm.s32 @!p1 $0xD900  }
0x129: {  	[tilespmem:s18], [sflag:$0x4] =	stream.indirect.gather @!p1 [spmem:s3], $0x80, s0, s20, $0xb8;
	[tilespmem:$0x18040] =	vst v63  }
0x12a: {  	s16 =	sadd.s32 @p2 $0xC80, s11;
	s19 =	sadd.s32 $0xE80, s22;
	s22 =	simm.s32 $0x80  }
0x12b: {  	[tilespmem:s28], [sflag:$0x5] =	stream.indirect.gather [spmem:s3], $0x80, s19, s22, $0xb8;
	[tilespmem:$0x18040] =	vst v63  }
0x12c: {  	s26 =	sadd.s32 @p2 $0xD80, s11;
	s29 =	sadd.s32 @p2 $0xE00, s11;
	s28 =	simm.s32 $0x1  }
0x12d: {  	s20 =	smov.u32 s16;
	s18 =	smov.u32 s26;
	_ =	swait.ge [sflag:s28], $0x4000  }
0x12e: {  	s26 =	simm.s32 $0x1900;
	s0 =	smov.u32 s29;
	[sflag:s28] =	ssyncset.done $0x0  }
0x12f: {  	s29 =	simm.s32 $0x2;
	s16 =	sadd.s32 s7, s14;
	[sflag:s28] =	ssyncadd.s32 $0xFFFFC000  }
0x130: {  	[hbm4b:s16+s4] =	stream.linear.scatter [tilespmem:s26], [sflag:$0x6], $0x4000, $0x38;
	[tilespmem:$0x18040] =	vst v63  }
0x131: {  	s23 =	sadd.s32 @p2 $0xD00, s11;
	_ =	swait.ge [sflag:s29], $0x4000  }
0x132: {  	s19 =	smov.u32 s23;
	s23 =	sadd.s32 s7, s15;
	[sflag:s29] =	ssyncset.done $0x0  }
0x133: {  	s15 =	smov.u32 s31;
	s31 =	simm.s32 $0x5900;
	[sflag:s29] =	ssyncadd.s32 $0xFFFFC000  }
0x134: {  	[hbm4b:s23+s4] =	stream.linear.scatter [tilespmem:s31], [sflag:$0x7], $0x4000, $0x38;
	[tilespmem:$0x18040] =	vst v63  }
0x135: {  	s8 =	sadd.s32 $0xA00, s8;
	s11 =	simm.s32 @!p2 $0x0;
	_ =	swait.ge [sflag:s30], $0x4000  }
0x136: {  	s22 =	smov.u32 s11;
	s11 =	sadd.s32 s7, s13;
	[sflag:s30] =	ssyncset.done $0x0  }
0x137: {  	s13 =	smov.u32 s24;
	s24 =	simm.s32 $0x9900;
	[sflag:s30] =	ssyncadd.s32 $0xFFFFC000  }
0x138: {  	[hbm4b:s11+s4] =	stream.linear.scatter [tilespmem:s24], [sflag:$0x8], $0x4000, $0x38;
	[tilespmem:$0x18040] =	vst v63  }
0x139: {  	p3 =	sne.s32 s8, $0x3200;
	s10 =	sadd.s32 @p2 $0xFFFFFE80, s9;
	_ =	swait.ge [sflag:s2], $0x4000  }
0x13a: {  	s10 =	simm.s32 @!p2 $0x0;
	s16 =	sadd.s32 s7, s12;
	[sflag:s2] =	ssyncset.done $0x0  }
0x13b: {  	s12 =	smov.u32 s25;
	s25 =	simm.s32 $0xD900;
	[sflag:s2] =	ssyncadd.s32 $0xFFFFC000  }
0x13c: {  	[hbm4b:s16+s4] =	stream.linear.scatter [tilespmem:s25], [sflag:$0x9], $0x4000, $0x38;
	[tilespmem:$0x18040] =	vst v63  }
.Ltmp1:
0x13d: {  	s1 =	sadd.s32 s5, s10;
	_ =	swait.ge [sflag:s17], $0x4000;
	(pc) =	sbr.rel @p3 .LBB2_4-.Ltmp1, $4  }
0x13e: {  	s1 =	sshll.u32 s1, $0x4;
	s23 =	rddreg [dreg:$0xa]  }
0x13f: {  	s9 =	sadd.s32 $0x280, s9;
	s14 =	smov.u32 s1;
	s1 =	sadd.s32 s21, s23  }
0x140: {  	p1 =	por p2, p2;
	[sflag:s17] =	ssyncset.done $0x0;
	s1 =	sshll.u32 s1, $0x4  }
0x141: {  	[sflag:s17] =	ssyncadd.s32 $0xFFFFC000;
	s21 =	smov.u32 s10;
	s1 =	sadd.s32 s7, s1  }
0x142: {  	s9 =	simm.s32 $0x11900  }
0x143: {  	[hbm4b:s1+s4] =	stream.linear.scatter [tilespmem:s9], [sflag:$0xA], $0x4000, $0x38;
	[tilespmem:$0x18040] =	vst v63  }
0x144: {  	s1 =	simm.s32 @p1 $0x6  }
0x145: {  	_ =	swait.ge @p1 [sflag:s1], $0x4000  }
0x146: {  	[sflag:s1] =	ssyncset.done @p1 $0x0  }
0x147: {  	s8 =	simm.s32 @p1 $0x1900;
	[sflag:s1] =	ssyncadd.s32 @p1 $0xFFFFC000;
	s1 =	simm.s32 @p1 $0x80  }
0x148: {  	[tilespmem:s8], [sflag:$0x1] =	stream.indirect.gather @p1 [spmem:s3], $0x80, s20, s1, $0xb8;
	[tilespmem:$0x18040] =	vst v63  }
0x149: {  	s8 =	simm.s32 @p1 $0x7  }
0x14a: {  	_ =	swait.ge @p1 [sflag:s8], $0x4000  }
0x14b: {  	[sflag:s8] =	ssyncset.done @p1 $0x0  }
0x14c: {  	[sflag:s8] =	ssyncadd.s32 @p1 $0xFFFFC000;
	s8 =	simm.s32 @p1 $0x5900  }
0x14d: {  	[tilespmem:s8], [sflag:$0x2] =	stream.indirect.gather @p1 [spmem:s3], $0x80, s19, s1, $0xb8;
	[tilespmem:$0x18040] =	vst v63  }
0x14e: {  	s8 =	simm.s32 @p1 $0x8  }
0x14f: {  	_ =	swait.ge @p1 [sflag:s8], $0x4000  }
0x150: {  	[sflag:s8] =	ssyncset.done @p1 $0x0  }
0x151: {  	[sflag:s8] =	ssyncadd.s32 @p1 $0xFFFFC000;
	s8 =	simm.s32 @p1 $0x9900  }
0x152: {  	[tilespmem:s8], [sflag:$0x3] =	stream.indirect.gather @p1 [spmem:s3], $0x80, s18, s1, $0xb8;
	[tilespmem:$0x18040] =	vst v63  }
0x153: {  	s8 =	simm.s32 @p1 $0x9  }
0x154: {  	_ =	swait.ge @p1 [sflag:s8], $0x4000  }
0x155: {  	[sflag:s8] =	ssyncset.done @p1 $0x0  }
0x156: {  	[sflag:s8] =	ssyncadd.s32 @p1 $0xFFFFC000;
	s8 =	simm.s32 @p1 $0xD900  }
0x157: {  	[tilespmem:s8], [sflag:$0x4] =	stream.indirect.gather @p1 [spmem:s3], $0x80, s0, s1, $0xb8;
	[tilespmem:$0x18040] =	vst v63  }
0x158: {  	s0 =	simm.s32 @p1 $0xA  }
0x159: {  	_ =	swait.ge @p1 [sflag:s0], $0x4000  }
0x15a: {  	s1 =	simm.s32 @!p1 $0x1900;
	[sflag:s0] =	ssyncset.done @p1 $0x0  }
0x15b: {  	s8 =	simm.s32 @!p1 $0xC80;
	[sflag:s0] =	ssyncadd.s32 @p1 $0xFFFFC000;
	s0 =	simm.s32 @!p1 $0x80  }
0x15c: {  	[tilespmem:s1], [sflag:$0x1] =	stream.indirect.gather @!p1 [spmem:s3], $0x80, s8, s0, $0xb8;
	[tilespmem:$0x18040] =	vst v63  }
0x15d: {  	s1 =	simm.s32 @!p1 $0xD00;
	s8 =	simm.s32 @!p1 $0x5900  }
0x15e: {  	[tilespmem:s8], [sflag:$0x2] =	stream.indirect.gather @!p1 [spmem:s3], $0x80, s1, s0, $0xb8;
	[tilespmem:$0x18040] =	vst v63  }
0x15f: {  	s1 =	simm.s32 @!p1 $0xD80;
	s8 =	simm.s32 @!p1 $0x9900  }
0x160: {  	[tilespmem:s8], [sflag:$0x3] =	stream.indirect.gather @!p1 [spmem:s3], $0x80, s1, s0, $0xb8;
	[tilespmem:$0x18040] =	vst v63  }
0x161: {  	s1 =	simm.s32 @!p1 $0xE00;
	s8 =	simm.s32 @!p1 $0xD900  }
0x162: {  	[tilespmem:s8], [sflag:$0x4] =	stream.indirect.gather @!p1 [spmem:s3], $0x80, s1, s0, $0xb8;
	[tilespmem:$0x18040] =	vst v63  }
0x163: {  	s20 =	simm.s32 $0x80;
	s19 =	sadd.s32 $0xE80, s22  }
0x164: {  	[tilespmem:s9], [sflag:$0x5] =	stream.indirect.gather [spmem:s3], $0x80, s19, s20, $0xb8;
	[tilespmem:$0x18040] =	vst v63  }
0x165: {  	_ =	swait.ge [sflag:s28], $0x4000  }
0x166: {  	[sflag:s28] =	ssyncset.done $0x0  }
0x167: {  	s22 =	sadd.s32 s7, s14;
	[sflag:s28] =	ssyncadd.s32 $0xFFFFC000  }
0x168: {  	[hbm4b:s22+s4] =	stream.linear.scatter [tilespmem:s26], [sflag:$0x6], $0x4000, $0x38;
	[tilespmem:$0x18040] =	vst v63  }
0x169: {  	_ =	swait.ge [sflag:s29], $0x4000  }
0x16a: {  	[sflag:s29] =	ssyncset.done $0x0  }
0x16b: {  	s23 =	sadd.s32 s7, s15;
	[sflag:s29] =	ssyncadd.s32 $0xFFFFC000  }
0x16c: {  	[hbm4b:s23+s4] =	stream.linear.scatter [tilespmem:s31], [sflag:$0x7], $0x4000, $0x38;
	[tilespmem:$0x18040] =	vst v63  }
0x16d: {  	_ =	swait.ge [sflag:s30], $0x4000  }
0x16e: {  	[sflag:s30] =	ssyncset.done $0x0  }
0x16f: {  	s1 =	sadd.s32 s7, s13;
	[sflag:s30] =	ssyncadd.s32 $0xFFFFC000  }
0x170: {  	[hbm4b:s1+s4] =	stream.linear.scatter [tilespmem:s24], [sflag:$0x8], $0x4000, $0x38;
	[tilespmem:$0x18040] =	vst v63  }
0x171: {  	_ =	swait.ge [sflag:s2], $0x4000  }
0x172: {  	[sflag:s2] =	ssyncset.done $0x0  }
0x173: {  	s8 =	sadd.s32 s7, s12;
	[sflag:s2] =	ssyncadd.s32 $0xFFFFC000  }
0x174: {  	[hbm4b:s8+s4] =	stream.linear.scatter [tilespmem:s25], [sflag:$0x9], $0x4000, $0x38;
	[tilespmem:$0x18040] =	vst v63  }
0x175: {  	_ =	swait.ge [sflag:s17], $0x4000  }
0x176: {  	s10 =	rddreg [dreg:$0xa]  }
0x177: {  	s0 =	sadd.s32 s21, s10  }
0x178: {  	[sflag:s17] =	ssyncset.done $0x0;
	s0 =	sshll.u32 s0, $0x4  }
0x179: {  	s11 =	simm.s32 $0x6;
	[sflag:s17] =	ssyncadd.s32 $0xFFFFC000;
	s0 =	sadd.s32 s7, s0  }
0x17a: {  	[hbm4b:s0+s4] =	stream.linear.scatter [tilespmem:s9], [sflag:$0xA], $0x4000, $0x38;
	[tilespmem:$0x18040] =	vst v63  }
0x17b: {  	_ =	swait.ge [sflag:s11], $0x4000  }
0x17c: {  	[sflag:s11] =	ssyncset.done $0x0  }
0x17d: {  	s12 =	simm.s32 $0x7;
	[sflag:s11] =	ssyncadd.s32 $0xFFFFC000  }
0x17e: {  	_ =	swait.ge [sflag:s12], $0x4000  }
0x17f: {  	[sflag:s12] =	ssyncset.done $0x0  }
0x180: {  	s14 =	simm.s32 $0x8;
	[sflag:s12] =	ssyncadd.s32 $0xFFFFC000  }
0x181: {  	_ =	swait.ge [sflag:s14], $0x4000  }
0x182: {  	[sflag:s14] =	ssyncset.done $0x0  }
0x183: {  	s15 =	simm.s32 $0x9;
	[sflag:s14] =	ssyncadd.s32 $0xFFFFC000  }
0x184: {  	_ =	swait.ge [sflag:s15], $0x4000  }
0x185: {  	[sflag:s15] =	ssyncset.done $0x0  }
0x186: {  	s16 =	simm.s32 $0xA;
	[sflag:s15] =	ssyncadd.s32 $0xFFFFC000  }
0x187: {  	_ =	swait.ge [sflag:s16], $0x4000  }
0x188: {  	[sflag:s16] =	ssyncset.done $0x0  }
0x189: {  	s18 =	simm.s32 $0xB;
	[sflag:s16] =	ssyncadd.s32 $0xFFFFC000  }
0x18a: {  	_ =	swait.ge [sflag:s18], $0x1000  }
0x18b: {  	[sflag:s18] =	ssyncset.done $0x0  }
0x18c: {  	[sflag:s18] =	ssyncadd.s32 $0xFFFFF000  }
0x18d: {  	_ =	swait.ge [sflag:s18], $0x1000  }
0x18e: {  	s9 =	simm.s32 $0xC;
	[sflag:s18] =	ssyncset.done $0x0  }
0x18f: {  	s11 =	simm.s32 $0x15A00;
	s19 =	rddreg [dreg:$0xf];
	[sflag:s18] =	ssyncadd.s32 $0xFFFFF000  }
0x190: {  	[hbm4b:s19+s4] =	stream.linear.scatter [tilespmem:s11], [sflag:$0xC], $0x1000, $0x38;
	[tilespmem:$0x18040] =	vst v63  }
0x191: {  	_ =	swait.ge [sflag:s9], $0x1000  }
0x192: {  	[sflag:s9] =	ssyncset.done $0x0  }
0x193: {  	s12 =	simm.s32 $0x16A00;
	s21 =	rddreg [dreg:$0x10];
	[sflag:s9] =	ssyncadd.s32 $0xFFFFF000  }
0x194: {  	[hbm4b:s21+s4] =	stream.linear.scatter [tilespmem:s12], [sflag:$0xC], $0x1000, $0x38;
	[tilespmem:$0x18040] =	vst v63  }
0x195: {  	_ =	swait.ge [sflag:s9], $0x1000  }
0x196: {  	s22 =	rddreg [dreg:$0x13]  }
0x197: {  	s23 =	rddreg [dreg:$0x11];
	s1 =	sadd.s32 $0x1, s22  }
0x198: {  	p1 =	sne.s32 s1, s23  }
.Ltmp2:
0x199: {  	_ = 	snop;
	(pc) =	sbr.rel @p1 .LBB2_1-.Ltmp2, $3  }
0x19a: {  	_ =	sdelay $0x1  }
0x19b: {  	[sflag:s9] =	ssyncset.done $0x0  }
0x19c: {  	s13 =	simm.s32 $0x11900;
	[sflag:s9] =	ssyncadd.s32 $0xFFFFF000  }
0x19d: {  	_ =	sfence.sel $0x180000  }
0x19e: {  	[bflag:$0x0] =	sbarrier.arrive $0xFFFF  }
0x19f: {  	_ =	strace $0x90000047  }
0x1a0: {  	[bflag:$0x2] =	sbarrier.arrive $0xFFFF  }
0x1a1: {  	s0 =	rddreg [dreg:$0x9]  }
0x1a2: {  	s0 =	sadd.s32 @!p0 $0x100000, s0  }
0x1a3: {  	[sflag:s0] =	ssyncadd.tile.s32 @!p0 $0x1;
	_ =	shalt  }
.Lfunc_end2:
_tile_overlayer_lowered:
.L_overlay_start_2:
0x1a4: {  	(tag) =	ssettag $0x2  }
0x1a5: {  	s0 =	rddreg [dreg:$0x0];
	s2 =	stileid.u32  }
0x1a6: {  	s1 =	rddreg [dreg:$0x1];
	p0 =	sne.s32 s2, $0x0  }
0x1a7: {  	s3 =	rddreg [dreg:$0x2];
	[bflag:$0x3] =	sbarrier.arrive $0xFFFF;
	s2 =	simm.s32 @!p0 $0x1C0C  }
0x1a8: {  	[timem:s3], [sflag:s2] =	dma.local @!p0 [hbm:s0], s1  }
0x1a9: {  	s0 =	simm.s32 @!p0 $0xC  }
0x1aa: {  	_ =	swait.ge @!p0 [sflag:s0], s1  }
0x1ab: {  	s1 =	ssub.s32 @!p0 $0x0, s1;
	[sflag:s0] =	ssyncset.done @!p0 $0x0  }
0x1ac: {  	[sflag:s0] =	ssyncadd.s32 @!p0 s1  }
0x1ad: {  	[bflag:$0x3] =	sbarrier.arrive $0xFFFF  }
0x1ae: {  	_ =	shalt  }

</sc_bundles>
